<compile_context>
chip_gen: v7x
topology: tpu7x:2x2x1
jax: 0.10.2.dev20260603
libtpu: 0.0.44.dev20260713+nightly
codegen_flags: <defaults>
</compile_context>

<pallas_src>
import functools

import jax
import jax.numpy as jnp
from jax import lax
from jax.experimental import pallas as pl
from jax.experimental.pallas import tpu as pltpu
from jax.experimental.pallas import tpu_sc as plsc

EMB = 64
PADW = 128
LANE = 128
NBUF = 5
H = 3
NW = 32
NC = 2


def _emb_body(idx_hbm, table_hbm, out_hbm, idx_all, rows, sem_g, sem_s):
    wid = lax.axis_index("s") * NC + lax.axis_index("c")
    rows_total = idx_hbm.shape[0]
    per_w = rows_total // NW
    steps = per_w // NBUF
    base = wid * per_w

    pltpu.sync_copy(idx_hbm.at[pl.ds(base, per_w)], idx_all)

    def gather_issue(b, g):
        pltpu.async_copy(table_hbm.at[idx_all.at[g]], rows.at[b], sem_g.at[b])

    def gather_wait(b, g):
        pltpu.make_async_copy(
            table_hbm.at[idx_all.at[g]], rows.at[b], sem_g.at[b]
        ).wait()

    def store_issue(b, g):
        pltpu.async_copy(
            rows.at[b], out_hbm.at[pl.ds((base + g) * LANE, LANE)], sem_s.at[b]
        )

    def store_wait(b, g):
        pltpu.make_async_copy(
            rows.at[b], out_hbm.at[pl.ds((base + g) * LANE, LANE)], sem_s.at[b]
        ).wait()

    def outer(t, carry):
        for b in range(NBUF):
            g = t * NBUF + b
            b2 = (b + NBUF - H) % NBUF
            gs = g - H
            if b < H:
                @pl.when(t >= 1)
                def _():
                    store_wait(b, g - NBUF)
                    gather_issue(b, g)
                    gather_wait(b2, gs)
                    store_issue(b2, gs)

                @pl.when(t < 1)
                def _():
                    gather_issue(b, g)
            else:
                @pl.when(t >= 1)
                def _():
                    store_wait(b, g - NBUF)

                gather_issue(b, g)
                gather_wait(b2, gs)
                store_issue(b2, gs)
        return carry

    lax.fori_loop(0, steps, outer, 0)

    for k in range(H):
        g = per_w - H + k
        b2 = g % NBUF
        gather_wait(b2, g)
        store_issue(b2, g)
    for b in range(NBUF):
        g = per_w - NBUF + b
        store_wait(b, g)


def kernel(idx_seqs, emb_weight):
    B, S = idx_seqs.shape
    total = B * S
    assert total % (LANE * NW * NBUF) == 0
    n_rows = total // LANE

    flat_idx = idx_seqs.astype(jnp.int32).reshape(n_rows, LANE)
    table_pad = jnp.pad(emb_weight, ((0, 0), (0, PADW - EMB)))

    run = functools.partial(
        pl.kernel,
        out_type=jax.ShapeDtypeStruct((total, PADW), jnp.float32),
        mesh=plsc.VectorSubcoreMesh(core_axis_name="c", subcore_axis_name="s"),
        scratch_types=[
            pltpu.VMEM((n_rows // NW, LANE), jnp.int32),
            pltpu.VMEM((NBUF, LANE, PADW), jnp.float32),
            pltpu.SemaphoreType.DMA((NBUF,)),
            pltpu.SemaphoreType.DMA((NBUF,)),
        ],
        compiler_params=pltpu.CompilerParams(use_tc_tiling_on_sc=True),
    )(_emb_body)

    out = run(flat_idx, table_pad)
    return out[:, :EMB].reshape(B, S, EMB)

# --- scband reference (transcript-rebuilt; emitter-appended) ---
"""Pipeline reference for scband-embedding-68805376082512 (READ-ONLY COPY).

The authoritative reference and input builder live on the scoring server;
editing this copy changes nothing except your own understanding.
"""

import jax, jax.numpy as jnp
import numpy as np

VOCAB = 1000000
EMB_DIM = 64
PAD = 0

def setup_inputs(seed: int = 0) -> dict:
    key = jax.random.key(seed)
    k1, k2 = jax.random.split(key)
    idx_seqs = jax.random.randint(k1, (4096, 200), 0, VOCAB, dtype=jnp.int64 if jax.config.jax_enable_x64 else jnp.int32)
    # Learned embedding table (copied from a numpy 'emb_array' in the original module).
    emb_weight = jax.random.normal(k2, (VOCAB, EMB_DIM), dtype=jnp.float32)
    return {"idx_seqs": idx_seqs, "emb_weight": emb_weight}

def reference(idx_seqs, emb_weight):
    # Faithful translation: forward is a pure embedding lookup (gather).
    # padding_idx only affects gradients / init in torch; forward is a plain gather
    # since the weight was overwritten by emb_array.
    return jnp.take(emb_weight, idx_seqs, axis=0)

if __name__ == "__main__":
    import jax
    _d = setup_inputs()
    print(jax.jit(kernel)(*tuple(_d.values())))

</pallas_src>

<mosaic_0001>
#map = affine_map<(d0, d1) -> (0, 0)>
module attributes {stable_mosaic.version = 14 : i64} {
  func.func @_emb_body(%arg0: i32, %arg1: i32, %arg2: memref<6400x128xi32, #tpu.memory_space<hbm>>, %arg3: memref<1000000x128xf32, #tpu.memory_space<hbm>>, %arg4: memref<819200x128xf32, #tpu.memory_space<hbm>>, %arg5: memref<200x128xi32, #tpu.memory_space<vmem>>, %arg6: memref<5x128x128xf32, #tpu.memory_space<vmem>>, %arg7: memref<5x!tpu.dma_semaphore, #tpu.memory_space<semaphore_mem>>, %arg8: memref<5x!tpu.dma_semaphore, #tpu.memory_space<semaphore_mem>>) attributes {dimension_semantics = [#tpu.dimension_semantics<core_parallel>, #tpu.dimension_semantics<subcore_parallel>], iteration_bounds = array<i64: 2, 16>, scalar_prefetch = 0 : i64, scratch_operands = 4 : i64, tpu.core_type = #tpu.core_type<sc_vector_subcore>, window_params = [{transform_indices = #map}, {transform_indices = #map}, {transform_indices = #map}]} {
    %mul3A = arith.constant 2 : i32
    %mul3A_0 = arith.muli %arg1, %mul3A : i32
    %add3A = arith.addi %mul3A_0, %arg0 : i32
    %mul3A_1 = arith.constant 200 : i32
    %mul3A_2 = arith.muli %add3A, %mul3A_1 : i32
    "tpu.region"() ({
      %run_scoped3A = tpu.sem_alloc : memref<!tpu.dma_semaphore, #tpu.memory_space<semaphore_mem>>
      %dma_start3A_211 = arith.constant 0 : i32
      %dma_start3A_212 = tpu.memref_slice %arg2[%mul3A_2, %dma_start3A_211] : memref<6400x128xi32, #tpu.memory_space<hbm>> -> memref<200x128xi32, #tpu.memory_space<hbm>>
      %dma_start3A_213 = arith.constant 0 : i32
      %dma_start3A_214 = tpu.memref_slice %arg2[%mul3A_2, %dma_start3A_213] : memref<6400x128xi32, #tpu.memory_space<hbm>> -> memref<200x128xi32, #tpu.memory_space<hbm>>
      tpu.enqueue_dma source(%dma_start3A_214 : memref<200x128xi32, #tpu.memory_space<hbm>>) target(%arg5 : memref<200x128xi32, #tpu.memory_space<vmem>>) target_semaphore(%run_scoped3A : memref<!tpu.dma_semaphore, #tpu.memory_space<semaphore_mem>>)
      %dma_wait3A_215 = arith.constant 0 : i32
      %dma_wait3A_216 = tpu.memref_slice %arg2[%mul3A_2, %dma_wait3A_215] : memref<6400x128xi32, #tpu.memory_space<hbm>> -> memref<200x128xi32, #tpu.memory_space<hbm>>
      %dma_wait3A_217 = arith.constant 0 : i32
      %dma_wait3A_218 = tpu.memref_slice %arg2[%mul3A_2, %dma_wait3A_217] : memref<6400x128xi32, #tpu.memory_space<hbm>> -> memref<200x128xi32, #tpu.memory_space<hbm>>
      tpu.wait_dma2 semaphore(%run_scoped3A : memref<!tpu.dma_semaphore, #tpu.memory_space<semaphore_mem>>) src(%dma_wait3A_218 : memref<200x128xi32, #tpu.memory_space<hbm>>) dst(%arg5 : memref<200x128xi32, #tpu.memory_space<vmem>>)
      tpu.yield
    }) : () -> ()
    %scan3A = arith.constant 0 : i32
    %scan3A_3 = arith.constant 0 : i32
    %scan3A_4 = arith.constant 40 : i32
    %scan3A_5 = arith.addi %scan3A_3, %scan3A_4 : i32
    %scan3A_6 = arith.constant 1 : i32
    scf.for %scan3A_211 = %scan3A_3 to %scan3A_5 step %scan3A_6  : i32 {
      %mul3A_212 = arith.constant 5 : i32
      %mul3A_213 = arith.muli %scan3A_211, %mul3A_212 : i32
      %add3A_214 = arith.constant 0 : i32
      %add3A_215 = arith.addi %mul3A_213, %add3A_214 : i32
      %sub3A = arith.constant 3 : i32
      %sub3A_216 = arith.subi %add3A_215, %sub3A : i32
      %ge3A = arith.constant 1 : i32
      %ge3A_217 = arith.cmpi sge, %scan3A_211, %ge3A : i32
      %convert_element_type3A = arith.extui %ge3A_217 : i1 to i32
      %cond3A = arith.constant 0 : i32
      %cond3A_218 = arith.cmpi ne, %convert_element_type3A, %cond3A : i32
      scf.if %cond3A_218 {
        %sub3A_371 = arith.constant 5 : i32
        %sub3A_372 = arith.subi %add3A_215, %sub3A_371 : i32
        %add3A_373 = arith.addi %mul3A_2, %sub3A_372 : i32
        %mul3A_374 = arith.constant 128 : i32
        %mul3A_375 = arith.muli %add3A_373, %mul3A_374 : i32
        %dma_wait3A_376 = arith.constant 0 : i32
        %dma_wait3A_377 = arith.constant 0 : i32
        %dma_wait3A_378 = arith.constant 0 : i32
        %dma_wait3A_379 = arith.constant 0 : i32
        %dma_wait3A_380 = tpu.memref_slice %arg6[%dma_wait3A_376, %dma_wait3A_378, %dma_wait3A_379] : memref<5x128x128xf32, #tpu.memory_space<vmem>> -> memref<1x128x128xf32, #tpu.memory_space<vmem>>
        %dma_wait3A_381 = tpu.memref_squeeze %dma_wait3A_380 : memref<1x128x128xf32, #tpu.memory_space<vmem>> -> memref<128x128xf32, #tpu.memory_space<vmem>>
        %dma_wait3A_382 = arith.constant 0 : i32
        %dma_wait3A_383 = tpu.memref_slice %arg4[%mul3A_375, %dma_wait3A_382] : memref<819200x128xf32, #tpu.memory_space<hbm>> -> memref<128x128xf32, #tpu.memory_space<hbm>>
        %dma_wait3A_384 = tpu.memref_slice %arg8[%dma_wait3A_377] : memref<5x!tpu.dma_semaphore, #tpu.memory_space<semaphore_mem>> -> memref<1x!tpu.dma_semaphore, #tpu.memory_space<semaphore_mem>>
        %dma_wait3A_385 = tpu.memref_squeeze %dma_wait3A_384 : memref<1x!tpu.dma_semaphore, #tpu.memory_space<semaphore_mem>> -> memref<!tpu.dma_semaphore, #tpu.memory_space<semaphore_mem>>
        %dma_wait3A_386 = arith.constant 0 : i32
        %dma_wait3A_387 = tpu.memref_slice %arg4[%mul3A_375, %dma_wait3A_386] : memref<819200x128xf32, #tpu.memory_space<hbm>> -> memref<128x128xf32, #tpu.memory_space<hbm>>
        %dma_wait3A_388 = arith.constant 0 : i32
        %dma_wait3A_389 = arith.constant 0 : i32
        %dma_wait3A_390 = tpu.memref_slice %arg6[%dma_wait3A_376, %dma_wait3A_388, %dma_wait3A_389] : memref<5x128x128xf32, #tpu.memory_space<vmem>> -> memref<1x128x128xf32, #tpu.memory_space<vmem>>
        %dma_wait3A_391 = tpu.memref_squeeze %dma_wait3A_390 : memref<1x128x128xf32, #tpu.memory_space<vmem>> -> memref<128x128xf32, #tpu.memory_space<vmem>>
        tpu.wait_dma2 semaphore(%dma_wait3A_385 : memref<!tpu.dma_semaphore, #tpu.memory_space<semaphore_mem>>) src(%dma_wait3A_391 : memref<128x128xf32, #tpu.memory_space<vmem>>) dst(%dma_wait3A_387 : memref<128x128xf32, #tpu.memory_space<hbm>>)
        %dma_start3A_392 = arith.constant 0 : i32
        %dma_start3A_393 = arith.constant 0 : i32
        %dma_start3A_394 = arith.constant 0 : i32
        %dma_start3A_395 = arith.constant 0 : i32
        %dma_start3A_396 = tpu.memref_slice %arg6[%dma_start3A_392, %dma_start3A_394, %dma_start3A_395] : memref<5x128x128xf32, #tpu.memory_space<vmem>> -> memref<1x128x128xf32, #tpu.memory_space<vmem>>
        %dma_start3A_397 = tpu.memref_squeeze %dma_start3A_396 : memref<1x128x128xf32, #tpu.memory_space<vmem>> -> memref<128x128xf32, #tpu.memory_space<vmem>>
        %dma_start3A_398 = arith.constant 0 : i32
        %dma_start3A_399 = tpu.memref_slice %arg5[%add3A_215, %dma_start3A_398] : memref<200x128xi32, #tpu.memory_space<vmem>> -> memref<1x128xi32, #tpu.memory_space<vmem>>
        %dma_start3A_400 = tpu.memref_squeeze %dma_start3A_399 : memref<1x128xi32, #tpu.memory_space<vmem>> -> memref<128xi32, #tpu.memory_space<vmem>>
        %dma_start3A_401 = arith.constant 0 : i32
        %dma_start3A_402 = arith.constant 0 : i32
        %dma_start3A_403 = tpu.memref_slice %arg3[%dma_start3A_401, %dma_start3A_402] : memref<1000000x128xf32, #tpu.memory_space<hbm>> -> memref<1000000x128xf32, #tpu.memory_space<hbm>>
        %dma_start3A_404 = tpu.memref_slice %arg7[%dma_start3A_393] : memref<5x!tpu.dma_semaphore, #tpu.memory_space<semaphore_mem>> -> memref<1x!tpu.dma_semaphore, #tpu.memory_space<semaphore_mem>>
        %dma_start3A_405 = tpu.memref_squeeze %dma_start3A_404 : memref<1x!tpu.dma_semaphore, #tpu.memory_space<semaphore_mem>> -> memref<!tpu.dma_semaphore, #tpu.memory_space<semaphore_mem>>
        tpu.enqueue_indirect_dma source(%dma_start3A_403 : memref<1000000x128xf32, #tpu.memory_space<hbm>>) target(%dma_start3A_397 : memref<128x128xf32, #tpu.memory_space<vmem>>) offsets(%dma_start3A_400 : memref<128xi32, #tpu.memory_space<vmem>>) semaphore(%dma_start3A_405 : memref<!tpu.dma_semaphore, #tpu.memory_space<semaphore_mem>>)
        %dma_wait3A_406 = arith.constant 2 : i32
        %dma_wait3A_407 = arith.constant 2 : i32
        %dma_wait3A_408 = arith.constant 0 : i32
        %dma_wait3A_409 = arith.constant 0 : i32
        %dma_wait3A_410 = tpu.memref_slice %arg6[%dma_wait3A_406, %dma_wait3A_408, %dma_wait3A_409] : memref<5x128x128xf32, #tpu.memory_space<vmem>> -> memref<1x128x128xf32, #tpu.memory_space<vmem>>
        %dma_wait3A_411 = tpu.memref_squeeze %dma_wait3A_410 : memref<1x128x128xf32, #tpu.memory_space<vmem>> -> memref<128x128xf32, #tpu.memory_space<vmem>>
        %dma_wait3A_412 = arith.constant 0 : i32
        %dma_wait3A_413 = tpu.memref_slice %arg5[%sub3A_216, %dma_wait3A_412] : memref<200x128xi32, #tpu.memory_space<vmem>> -> memref<1x128xi32, #tpu.memory_space<vmem>>
        %dma_wait3A_414 = tpu.memref_squeeze %dma_wait3A_413 : memref<1x128xi32, #tpu.memory_space<vmem>> -> memref<128xi32, #tpu.memory_space<vmem>>
        %dma_wait3A_415 = arith.constant 0 : i32
        %dma_wait3A_416 = arith.constant 0 : i32
        %dma_wait3A_417 = tpu.memref_slice %arg3[%dma_wait3A_415, %dma_wait3A_416] : memref<1000000x128xf32, #tpu.memory_space<hbm>> -> memref<1000000x128xf32, #tpu.memory_space<hbm>>
        %dma_wait3A_418 = tpu.memref_slice %arg7[%dma_wait3A_407] : memref<5x!tpu.dma_semaphore, #tpu.memory_space<semaphore_mem>> -> memref<1x!tpu.dma_semaphore, #tpu.memory_space<semaphore_mem>>
        %dma_wait3A_419 = tpu.memref_squeeze %dma_wait3A_418 : memref<1x!tpu.dma_semaphore, #tpu.memory_space<semaphore_mem>> -> memref<!tpu.dma_semaphore, #tpu.memory_space<semaphore_mem>>
        tpu.wait_indirect_dma semaphore(%dma_wait3A_419 : memref<!tpu.dma_semaphore, #tpu.memory_space<semaphore_mem>>) src(%dma_wait3A_417 : memref<1000000x128xf32, #tpu.memory_space<hbm>>) dst(%dma_wait3A_411 : memref<128x128xf32, #tpu.memory_space<vmem>>)
        %add3A_420 = arith.addi %mul3A_2, %sub3A_216 : i32
        %mul3A_421 = arith.constant 128 : i32
        %mul3A_422 = arith.muli %add3A_420, %mul3A_421 : i32
        %dma_start3A_423 = arith.constant 2 : i32
        %dma_start3A_424 = arith.constant 2 : i32
        %dma_start3A_425 = arith.constant 0 : i32
        %dma_start3A_426 = arith.constant 0 : i32
        %dma_start3A_427 = tpu.memref_slice %arg6[%dma_start3A_423, %dma_start3A_425, %dma_start3A_426] : memref<5x128x128xf32, #tpu.memory_space<vmem>> -> memref<1x128x128xf32, #tpu.memory_space<vmem>>
        %dma_start3A_428 = tpu.memref_squeeze %dma_start3A_427 : memref<1x128x128xf32, #tpu.memory_space<vmem>> -> memref<128x128xf32, #tpu.memory_space<vmem>>
        %dma_start3A_429 = arith.constant 0 : i32
        %dma_start3A_430 = tpu.memref_slice %arg4[%mul3A_422, %dma_start3A_429] : memref<819200x128xf32, #tpu.memory_space<hbm>> -> memref<128x128xf32, #tpu.memory_space<hbm>>
        %dma_start3A_431 = tpu.memref_slice %arg8[%dma_start3A_424] : memref<5x!tpu.dma_semaphore, #tpu.memory_space<semaphore_mem>> -> memref<1x!tpu.dma_semaphore, #tpu.memory_space<semaphore_mem>>
        %dma_start3A_432 = tpu.memref_squeeze %dma_start3A_431 : memref<1x!tpu.dma_semaphore, #tpu.memory_space<semaphore_mem>> -> memref<!tpu.dma_semaphore, #tpu.memory_space<semaphore_mem>>
        %dma_start3A_433 = arith.constant 0 : i32
        %dma_start3A_434 = tpu.memref_slice %arg4[%mul3A_422, %dma_start3A_433] : memref<819200x128xf32, #tpu.memory_space<hbm>> -> memref<128x128xf32, #tpu.memory_space<hbm>>
        %dma_start3A_435 = arith.constant 0 : i32
        %dma_start3A_436 = arith.constant 0 : i32
        %dma_start3A_437 = tpu.memref_slice %arg6[%dma_start3A_423, %dma_start3A_435, %dma_start3A_436] : memref<5x128x128xf32, #tpu.memory_space<vmem>> -> memref<1x128x128xf32, #tpu.memory_space<vmem>>
        %dma_start3A_438 = tpu.memref_squeeze %dma_start3A_437 : memref<1x128x128xf32, #tpu.memory_space<vmem>> -> memref<128x128xf32, #tpu.memory_space<vmem>>
        tpu.enqueue_dma source(%dma_start3A_438 : memref<128x128xf32, #tpu.memory_space<vmem>>) target(%dma_start3A_434 : memref<128x128xf32, #tpu.memory_space<hbm>>) target_semaphore(%dma_start3A_432 : memref<!tpu.dma_semaphore, #tpu.memory_space<semaphore_mem>>)
      } else {
      }
      %lt3A = arith.constant 1 : i32
      %lt3A_219 = arith.cmpi slt, %scan3A_211, %lt3A : i32
      %convert_element_type3A_220 = arith.extui %lt3A_219 : i1 to i32
      %cond3A_221 = arith.constant 0 : i32
      %cond3A_222 = arith.cmpi ne, %convert_element_type3A_220, %cond3A_221 : i32
      scf.if %cond3A_222 {
        %dma_start3A_371 = arith.constant 0 : i32
        %dma_start3A_372 = arith.constant 0 : i32
        %dma_start3A_373 = arith.constant 0 : i32
        %dma_start3A_374 = arith.constant 0 : i32
        %dma_start3A_375 = tpu.memref_slice %arg6[%dma_start3A_371, %dma_start3A_373, %dma_start3A_374] : memref<5x128x128xf32, #tpu.memory_space<vmem>> -> memref<1x128x128xf32, #tpu.memory_space<vmem>>
        %dma_start3A_376 = tpu.memref_squeeze %dma_start3A_375 : memref<1x128x128xf32, #tpu.memory_space<vmem>> -> memref<128x128xf32, #tpu.memory_space<vmem>>
        %dma_start3A_377 = arith.constant 0 : i32
        %dma_start3A_378 = tpu.memref_slice %arg5[%add3A_215, %dma_start3A_377] : memref<200x128xi32, #tpu.memory_space<vmem>> -> memref<1x128xi32, #tpu.memory_space<vmem>>
        %dma_start3A_379 = tpu.memref_squeeze %dma_start3A_378 : memref<1x128xi32, #tpu.memory_space<vmem>> -> memref<128xi32, #tpu.memory_space<vmem>>
        %dma_start3A_380 = arith.constant 0 : i32
        %dma_start3A_381 = arith.constant 0 : i32
        %dma_start3A_382 = tpu.memref_slice %arg3[%dma_start3A_380, %dma_start3A_381] : memref<1000000x128xf32, #tpu.memory_space<hbm>> -> memref<1000000x128xf32, #tpu.memory_space<hbm>>
        %dma_start3A_383 = tpu.memref_slice %arg7[%dma_start3A_372] : memref<5x!tpu.dma_semaphore, #tpu.memory_space<semaphore_mem>> -> memref<1x!tpu.dma_semaphore, #tpu.memory_space<semaphore_mem>>
        %dma_start3A_384 = tpu.memref_squeeze %dma_start3A_383 : memref<1x!tpu.dma_semaphore, #tpu.memory_space<semaphore_mem>> -> memref<!tpu.dma_semaphore, #tpu.memory_space<semaphore_mem>>
        tpu.enqueue_indirect_dma source(%dma_start3A_382 : memref<1000000x128xf32, #tpu.memory_space<hbm>>) target(%dma_start3A_376 : memref<128x128xf32, #tpu.memory_space<vmem>>) offsets(%dma_start3A_379 : memref<128xi32, #tpu.memory_space<vmem>>) semaphore(%dma_start3A_384 : memref<!tpu.dma_semaphore, #tpu.memory_space<semaphore_mem>>)
      } else {
      }
      %mul3A_223 = arith.constant 5 : i32
      %mul3A_224 = arith.muli %scan3A_211, %mul3A_223 : i32
      %add3A_225 = arith.constant 1 : i32
      %add3A_226 = arith.addi %mul3A_224, %add3A_225 : i32
      %sub3A_227 = arith.constant 3 : i32
      %sub3A_228 = arith.subi %add3A_226, %sub3A_227 : i32
      %ge3A_229 = arith.constant 1 : i32
      %ge3A_230 = arith.cmpi sge, %scan3A_211, %ge3A_229 : i32
      %convert_element_type3A_231 = arith.extui %ge3A_230 : i1 to i32
      %cond3A_232 = arith.constant 0 : i32
      %cond3A_233 = arith.cmpi ne, %convert_element_type3A_231, %cond3A_232 : i32
      scf.if %cond3A_233 {
        %sub3A_371 = arith.constant 5 : i32
        %sub3A_372 = arith.subi %add3A_226, %sub3A_371 : i32
        %add3A_373 = arith.addi %mul3A_2, %sub3A_372 : i32
        %mul3A_374 = arith.constant 128 : i32
        %mul3A_375 = arith.muli %add3A_373, %mul3A_374 : i32
        %dma_wait3A_376 = arith.constant 1 : i32
        %dma_wait3A_377 = arith.constant 1 : i32
        %dma_wait3A_378 = arith.constant 0 : i32
        %dma_wait3A_379 = arith.constant 0 : i32
        %dma_wait3A_380 = tpu.memref_slice %arg6[%dma_wait3A_376, %dma_wait3A_378, %dma_wait3A_379] : memref<5x128x128xf32, #tpu.memory_space<vmem>> -> memref<1x128x128xf32, #tpu.memory_space<vmem>>
        %dma_wait3A_381 = tpu.memref_squeeze %dma_wait3A_380 : memref<1x128x128xf32, #tpu.memory_space<vmem>> -> memref<128x128xf32, #tpu.memory_space<vmem>>
        %dma_wait3A_382 = arith.constant 0 : i32
        %dma_wait3A_383 = tpu.memref_slice %arg4[%mul3A_375, %dma_wait3A_382] : memref<819200x128xf32, #tpu.memory_space<hbm>> -> memref<128x128xf32, #tpu.memory_space<hbm>>
        %dma_wait3A_384 = tpu.memref_slice %arg8[%dma_wait3A_377] : memref<5x!tpu.dma_semaphore, #tpu.memory_space<semaphore_mem>> -> memref<1x!tpu.dma_semaphore, #tpu.memory_space<semaphore_mem>>
        %dma_wait3A_385 = tpu.memref_squeeze %dma_wait3A_384 : memref<1x!tpu.dma_semaphore, #tpu.memory_space<semaphore_mem>> -> memref<!tpu.dma_semaphore, #tpu.memory_space<semaphore_mem>>
        %dma_wait3A_386 = arith.constant 0 : i32
        %dma_wait3A_387 = tpu.memref_slice %arg4[%mul3A_375, %dma_wait3A_386] : memref<819200x128xf32, #tpu.memory_space<hbm>> -> memref<128x128xf32, #tpu.memory_space<hbm>>
        %dma_wait3A_388 = arith.constant 0 : i32
        %dma_wait3A_389 = arith.constant 0 : i32
        %dma_wait3A_390 = tpu.memref_slice %arg6[%dma_wait3A_376, %dma_wait3A_388, %dma_wait3A_389] : memref<5x128x128xf32, #tpu.memory_space<vmem>> -> memref<1x128x128xf32, #tpu.memory_space<vmem>>
        %dma_wait3A_391 = tpu.memref_squeeze %dma_wait3A_390 : memref<1x128x128xf32, #tpu.memory_space<vmem>> -> memref<128x128xf32, #tpu.memory_space<vmem>>
        tpu.wait_dma2 semaphore(%dma_wait3A_385 : memref<!tpu.dma_semaphore, #tpu.memory_space<semaphore_mem>>) src(%dma_wait3A_391 : memref<128x128xf32, #tpu.memory_space<vmem>>) dst(%dma_wait3A_387 : memref<128x128xf32, #tpu.memory_space<hbm>>)
        %dma_start3A_392 = arith.constant 1 : i32
        %dma_start3A_393 = arith.constant 1 : i32
        %dma_start3A_394 = arith.constant 0 : i32
        %dma_start3A_395 = arith.constant 0 : i32
        %dma_start3A_396 = tpu.memref_slice %arg6[%dma_start3A_392, %dma_start3A_394, %dma_start3A_395] : memref<5x128x128xf32, #tpu.memory_space<vmem>> -> memref<1x128x128xf32, #tpu.memory_space<vmem>>
        %dma_start3A_397 = tpu.memref_squeeze %dma_start3A_396 : memref<1x128x128xf32, #tpu.memory_space<vmem>> -> memref<128x128xf32, #tpu.memory_space<vmem>>
        %dma_start3A_398 = arith.constant 0 : i32
        %dma_start3A_399 = tpu.memref_slice %arg5[%add3A_226, %dma_start3A_398] : memref<200x128xi32, #tpu.memory_space<vmem>> -> memref<1x128xi32, #tpu.memory_space<vmem>>
        %dma_start3A_400 = tpu.memref_squeeze %dma_start3A_399 : memref<1x128xi32, #tpu.memory_space<vmem>> -> memref<128xi32, #tpu.memory_space<vmem>>
        %dma_start3A_401 = arith.constant 0 : i32
        %dma_start3A_402 = arith.constant 0 : i32
        %dma_start3A_403 = tpu.memref_slice %arg3[%dma_start3A_401, %dma_start3A_402] : memref<1000000x128xf32, #tpu.memory_space<hbm>> -> memref<1000000x128xf32, #tpu.memory_space<hbm>>
        %dma_start3A_404 = tpu.memref_slice %arg7[%dma_start3A_393] : memref<5x!tpu.dma_semaphore, #tpu.memory_space<semaphore_mem>> -> memref<1x!tpu.dma_semaphore, #tpu.memory_space<semaphore_mem>>
        %dma_start3A_405 = tpu.memref_squeeze %dma_start3A_404 : memref<1x!tpu.dma_semaphore, #tpu.memory_space<semaphore_mem>> -> memref<!tpu.dma_semaphore, #tpu.memory_space<semaphore_mem>>
        tpu.enqueue_indirect_dma source(%dma_start3A_403 : memref<1000000x128xf32, #tpu.memory_space<hbm>>) target(%dma_start3A_397 : memref<128x128xf32, #tpu.memory_space<vmem>>) offsets(%dma_start3A_400 : memref<128xi32, #tpu.memory_space<vmem>>) semaphore(%dma_start3A_405 : memref<!tpu.dma_semaphore, #tpu.memory_space<semaphore_mem>>)
        %dma_wait3A_406 = arith.constant 3 : i32
        %dma_wait3A_407 = arith.constant 3 : i32
        %dma_wait3A_408 = arith.constant 0 : i32
        %dma_wait3A_409 = arith.constant 0 : i32
        %dma_wait3A_410 = tpu.memref_slice %arg6[%dma_wait3A_406, %dma_wait3A_408, %dma_wait3A_409] : memref<5x128x128xf32, #tpu.memory_space<vmem>> -> memref<1x128x128xf32, #tpu.memory_space<vmem>>
        %dma_wait3A_411 = tpu.memref_squeeze %dma_wait3A_410 : memref<1x128x128xf32, #tpu.memory_space<vmem>> -> memref<128x128xf32, #tpu.memory_space<vmem>>
        %dma_wait3A_412 = arith.constant 0 : i32
        %dma_wait3A_413 = tpu.memref_slice %arg5[%sub3A_228, %dma_wait3A_412] : memref<200x128xi32, #tpu.memory_space<vmem>> -> memref<1x128xi32, #tpu.memory_space<vmem>>
        %dma_wait3A_414 = tpu.memref_squeeze %dma_wait3A_413 : memref<1x128xi32, #tpu.memory_space<vmem>> -> memref<128xi32, #tpu.memory_space<vmem>>
        %dma_wait3A_415 = arith.constant 0 : i32
        %dma_wait3A_416 = arith.constant 0 : i32
        %dma_wait3A_417 = tpu.memref_slice %arg3[%dma_wait3A_415, %dma_wait3A_416] : memref<1000000x128xf32, #tpu.memory_space<hbm>> -> memref<1000000x128xf32, #tpu.memory_space<hbm>>
        %dma_wait3A_418 = tpu.memref_slice %arg7[%dma_wait3A_407] : memref<5x!tpu.dma_semaphore, #tpu.memory_space<semaphore_mem>> -> memref<1x!tpu.dma_semaphore, #tpu.memory_space<semaphore_mem>>
        %dma_wait3A_419 = tpu.memref_squeeze %dma_wait3A_418 : memref<1x!tpu.dma_semaphore, #tpu.memory_space<semaphore_mem>> -> memref<!tpu.dma_semaphore, #tpu.memory_space<semaphore_mem>>
        tpu.wait_indirect_dma semaphore(%dma_wait3A_419 : memref<!tpu.dma_semaphore, #tpu.memory_space<semaphore_mem>>) src(%dma_wait3A_417 : memref<1000000x128xf32, #tpu.memory_space<hbm>>) dst(%dma_wait3A_411 : memref<128x128xf32, #tpu.memory_space<vmem>>)
        %add3A_420 = arith.addi %mul3A_2, %sub3A_228 : i32
        %mul3A_421 = arith.constant 128 : i32
        %mul3A_422 = arith.muli %add3A_420, %mul3A_421 : i32
        %dma_start3A_423 = arith.constant 3 : i32
        %dma_start3A_424 = arith.constant 3 : i32
        %dma_start3A_425 = arith.constant 0 : i32
        %dma_start3A_426 = arith.constant 0 : i32
        %dma_start3A_427 = tpu.memref_slice %arg6[%dma_start3A_423, %dma_start3A_425, %dma_start3A_426] : memref<5x128x128xf32, #tpu.memory_space<vmem>> -> memref<1x128x128xf32, #tpu.memory_space<vmem>>
        %dma_start3A_428 = tpu.memref_squeeze %dma_start3A_427 : memref<1x128x128xf32, #tpu.memory_space<vmem>> -> memref<128x128xf32, #tpu.memory_space<vmem>>
        %dma_start3A_429 = arith.constant 0 : i32
        %dma_start3A_430 = tpu.memref_slice %arg4[%mul3A_422, %dma_start3A_429] : memref<819200x128xf32, #tpu.memory_space<hbm>> -> memref<128x128xf32, #tpu.memory_space<hbm>>
        %dma_start3A_431 = tpu.memref_slice %arg8[%dma_start3A_424] : memref<5x!tpu.dma_semaphore, #tpu.memory_space<semaphore_mem>> -> memref<1x!tpu.dma_semaphore, #tpu.memory_space<semaphore_mem>>
        %dma_start3A_432 = tpu.memref_squeeze %dma_start3A_431 : memref<1x!tpu.dma_semaphore, #tpu.memory_space<semaphore_mem>> -> memref<!tpu.dma_semaphore, #tpu.memory_space<semaphore_mem>>
        %dma_start3A_433 = arith.constant 0 : i32
        %dma_start3A_434 = tpu.memref_slice %arg4[%mul3A_422, %dma_start3A_433] : memref<819200x128xf32, #tpu.memory_space<hbm>> -> memref<128x128xf32, #tpu.memory_space<hbm>>
        %dma_start3A_435 = arith.constant 0 : i32
        %dma_start3A_436 = arith.constant 0 : i32
        %dma_start3A_437 = tpu.memref_slice %arg6[%dma_start3A_423, %dma_start3A_435, %dma_start3A_436] : memref<5x128x128xf32, #tpu.memory_space<vmem>> -> memref<1x128x128xf32, #tpu.memory_space<vmem>>
        %dma_start3A_438 = tpu.memref_squeeze %dma_start3A_437 : memref<1x128x128xf32, #tpu.memory_space<vmem>> -> memref<128x128xf32, #tpu.memory_space<vmem>>
        tpu.enqueue_dma source(%dma_start3A_438 : memref<128x128xf32, #tpu.memory_space<vmem>>) target(%dma_start3A_434 : memref<128x128xf32, #tpu.memory_space<hbm>>) target_semaphore(%dma_start3A_432 : memref<!tpu.dma_semaphore, #tpu.memory_space<semaphore_mem>>)
      } else {
      }
      %lt3A_234 = arith.constant 1 : i32
      %lt3A_235 = arith.cmpi slt, %scan3A_211, %lt3A_234 : i32
      %convert_element_type3A_236 = arith.extui %lt3A_235 : i1 to i32
      %cond3A_237 = arith.constant 0 : i32
      %cond3A_238 = arith.cmpi ne, %convert_element_type3A_236, %cond3A_237 : i32
      scf.if %cond3A_238 {
        %dma_start3A_371 = arith.constant 1 : i32
        %dma_start3A_372 = arith.constant 1 : i32
        %dma_start3A_373 = arith.constant 0 : i32
        %dma_start3A_374 = arith.constant 0 : i32
        %dma_start3A_375 = tpu.memref_slice %arg6[%dma_start3A_371, %dma_start3A_373, %dma_start3A_374] : memref<5x128x128xf32, #tpu.memory_space<vmem>> -> memref<1x128x128xf32, #tpu.memory_space<vmem>>
        %dma_start3A_376 = tpu.memref_squeeze %dma_start3A_375 : memref<1x128x128xf32, #tpu.memory_space<vmem>> -> memref<128x128xf32, #tpu.memory_space<vmem>>
        %dma_start3A_377 = arith.constant 0 : i32
        %dma_start3A_378 = tpu.memref_slice %arg5[%add3A_226, %dma_start3A_377] : memref<200x128xi32, #tpu.memory_space<vmem>> -> memref<1x128xi32, #tpu.memory_space<vmem>>
        %dma_start3A_379 = tpu.memref_squeeze %dma_start3A_378 : memref<1x128xi32, #tpu.memory_space<vmem>> -> memref<128xi32, #tpu.memory_space<vmem>>
        %dma_start3A_380 = arith.constant 0 : i32
        %dma_start3A_381 = arith.constant 0 : i32
        %dma_start3A_382 = tpu.memref_slice %arg3[%dma_start3A_380, %dma_start3A_381] : memref<1000000x128xf32, #tpu.memory_space<hbm>> -> memref<1000000x128xf32, #tpu.memory_space<hbm>>
        %dma_start3A_383 = tpu.memref_slice %arg7[%dma_start3A_372] : memref<5x!tpu.dma_semaphore, #tpu.memory_space<semaphore_mem>> -> memref<1x!tpu.dma_semaphore, #tpu.memory_space<semaphore_mem>>
        %dma_start3A_384 = tpu.memref_squeeze %dma_start3A_383 : memref<1x!tpu.dma_semaphore, #tpu.memory_space<semaphore_mem>> -> memref<!tpu.dma_semaphore, #tpu.memory_space<semaphore_mem>>
        tpu.enqueue_indirect_dma source(%dma_start3A_382 : memref<1000000x128xf32, #tpu.memory_space<hbm>>) target(%dma_start3A_376 : memref<128x128xf32, #tpu.memory_space<vmem>>) offsets(%dma_start3A_379 : memref<128xi32, #tpu.memory_space<vmem>>) semaphore(%dma_start3A_384 : memref<!tpu.dma_semaphore, #tpu.memory_space<semaphore_mem>>)
      } else {
      }
      %mul3A_239 = arith.constant 5 : i32
      %mul3A_240 = arith.muli %scan3A_211, %mul3A_239 : i32
      %add3A_241 = arith.constant 2 : i32
      %add3A_242 = arith.addi %mul3A_240, %add3A_241 : i32
      %sub3A_243 = arith.constant 3 : i32
      %sub3A_244 = arith.subi %add3A_242, %sub3A_243 : i32
      %ge3A_245 = arith.constant 1 : i32
      %ge3A_246 = arith.cmpi sge, %scan3A_211, %ge3A_245 : i32
      %convert_element_type3A_247 = arith.extui %ge3A_246 : i1 to i32
      %cond3A_248 = arith.constant 0 : i32
      %cond3A_249 = arith.cmpi ne, %convert_element_type3A_247, %cond3A_248 : i32
      scf.if %cond3A_249 {
        %sub3A_371 = arith.constant 5 : i32
        %sub3A_372 = arith.subi %add3A_242, %sub3A_371 : i32
        %add3A_373 = arith.addi %mul3A_2, %sub3A_372 : i32
        %mul3A_374 = arith.constant 128 : i32
        %mul3A_375 = arith.muli %add3A_373, %mul3A_374 : i32
        %dma_wait3A_376 = arith.constant 2 : i32
        %dma_wait3A_377 = arith.constant 2 : i32
        %dma_wait3A_378 = arith.constant 0 : i32
        %dma_wait3A_379 = arith.constant 0 : i32
        %dma_wait3A_380 = tpu.memref_slice %arg6[%dma_wait3A_376, %dma_wait3A_378, %dma_wait3A_379] : memref<5x128x128xf32, #tpu.memory_space<vmem>> -> memref<1x128x128xf32, #tpu.memory_space<vmem>>
        %dma_wait3A_381 = tpu.memref_squeeze %dma_wait3A_380 : memref<1x128x128xf32, #tpu.memory_space<vmem>> -> memref<128x128xf32, #tpu.memory_space<vmem>>
        %dma_wait3A_382 = arith.constant 0 : i32
        %dma_wait3A_383 = tpu.memref_slice %arg4[%mul3A_375, %dma_wait3A_382] : memref<819200x128xf32, #tpu.memory_space<hbm>> -> memref<128x128xf32, #tpu.memory_space<hbm>>
        %dma_wait3A_384 = tpu.memref_slice %arg8[%dma_wait3A_377] : memref<5x!tpu.dma_semaphore, #tpu.memory_space<semaphore_mem>> -> memref<1x!tpu.dma_semaphore, #tpu.memory_space<semaphore_mem>>
        %dma_wait3A_385 = tpu.memref_squeeze %dma_wait3A_384 : memref<1x!tpu.dma_semaphore, #tpu.memory_space<semaphore_mem>> -> memref<!tpu.dma_semaphore, #tpu.memory_space<semaphore_mem>>
        %dma_wait3A_386 = arith.constant 0 : i32
        %dma_wait3A_387 = tpu.memref_slice %arg4[%mul3A_375, %dma_wait3A_386] : memref<819200x128xf32, #tpu.memory_space<hbm>> -> memref<128x128xf32, #tpu.memory_space<hbm>>
        %dma_wait3A_388 = arith.constant 0 : i32
        %dma_wait3A_389 = arith.constant 0 : i32
        %dma_wait3A_390 = tpu.memref_slice %arg6[%dma_wait3A_376, %dma_wait3A_388, %dma_wait3A_389] : memref<5x128x128xf32, #tpu.memory_space<vmem>> -> memref<1x128x128xf32, #tpu.memory_space<vmem>>
        %dma_wait3A_391 = tpu.memref_squeeze %dma_wait3A_390 : memref<1x128x128xf32, #tpu.memory_space<vmem>> -> memref<128x128xf32, #tpu.memory_space<vmem>>
        tpu.wait_dma2 semaphore(%dma_wait3A_385 : memref<!tpu.dma_semaphore, #tpu.memory_space<semaphore_mem>>) src(%dma_wait3A_391 : memref<128x128xf32, #tpu.memory_space<vmem>>) dst(%dma_wait3A_387 : memref<128x128xf32, #tpu.memory_space<hbm>>)
        %dma_start3A_392 = arith.constant 2 : i32
        %dma_start3A_393 = arith.constant 2 : i32
        %dma_start3A_394 = arith.constant 0 : i32
        %dma_start3A_395 = arith.constant 0 : i32
        %dma_start3A_396 = tpu.memref_slice %arg6[%dma_start3A_392, %dma_start3A_394, %dma_start3A_395] : memref<5x128x128xf32, #tpu.memory_space<vmem>> -> memref<1x128x128xf32, #tpu.memory_space<vmem>>
        %dma_start3A_397 = tpu.memref_squeeze %dma_start3A_396 : memref<1x128x128xf32, #tpu.memory_space<vmem>> -> memref<128x128xf32, #tpu.memory_space<vmem>>
        %dma_start3A_398 = arith.constant 0 : i32
        %dma_start3A_399 = tpu.memref_slice %arg5[%add3A_242, %dma_start3A_398] : memref<200x128xi32, #tpu.memory_space<vmem>> -> memref<1x128xi32, #tpu.memory_space<vmem>>
        %dma_start3A_400 = tpu.memref_squeeze %dma_start3A_399 : memref<1x128xi32, #tpu.memory_space<vmem>> -> memref<128xi32, #tpu.memory_space<vmem>>
        %dma_start3A_401 = arith.constant 0 : i32
        %dma_start3A_402 = arith.constant 0 : i32
        %dma_start3A_403 = tpu.memref_slice %arg3[%dma_start3A_401, %dma_start3A_402] : memref<1000000x128xf32, #tpu.memory_space<hbm>> -> memref<1000000x128xf32, #tpu.memory_space<hbm>>
        %dma_start3A_404 = tpu.memref_slice %arg7[%dma_start3A_393] : memref<5x!tpu.dma_semaphore, #tpu.memory_space<semaphore_mem>> -> memref<1x!tpu.dma_semaphore, #tpu.memory_space<semaphore_mem>>
        %dma_start3A_405 = tpu.memref_squeeze %dma_start3A_404 : memref<1x!tpu.dma_semaphore, #tpu.memory_space<semaphore_mem>> -> memref<!tpu.dma_semaphore, #tpu.memory_space<semaphore_mem>>
        tpu.enqueue_indirect_dma source(%dma_start3A_403 : memref<1000000x128xf32, #tpu.memory_space<hbm>>) target(%dma_start3A_397 : memref<128x128xf32, #tpu.memory_space<vmem>>) offsets(%dma_start3A_400 : memref<128xi32, #tpu.memory_space<vmem>>) semaphore(%dma_start3A_405 : memref<!tpu.dma_semaphore, #tpu.memory_space<semaphore_mem>>)
        %dma_wait3A_406 = arith.constant 4 : i32
        %dma_wait3A_407 = arith.constant 4 : i32
        %dma_wait3A_408 = arith.constant 0 : i32
        %dma_wait3A_409 = arith.constant 0 : i32
        %dma_wait3A_410 = tpu.memref_slice %arg6[%dma_wait3A_406, %dma_wait3A_408, %dma_wait3A_409] : memref<5x128x128xf32, #tpu.memory_space<vmem>> -> memref<1x128x128xf32, #tpu.memory_space<vmem>>
        %dma_wait3A_411 = tpu.memref_squeeze %dma_wait3A_410 : memref<1x128x128xf32, #tpu.memory_space<vmem>> -> memref<128x128xf32, #tpu.memory_space<vmem>>
        %dma_wait3A_412 = arith.constant 0 : i32
        %dma_wait3A_413 = tpu.memref_slice %arg5[%sub3A_244, %dma_wait3A_412] : memref<200x128xi32, #tpu.memory_space<vmem>> -> memref<1x128xi32, #tpu.memory_space<vmem>>
        %dma_wait3A_414 = tpu.memref_squeeze %dma_wait3A_413 : memref<1x128xi32, #tpu.memory_space<vmem>> -> memref<128xi32, #tpu.memory_space<vmem>>
        %dma_wait3A_415 = arith.constant 0 : i32
        %dma_wait3A_416 = arith.constant 0 : i32
        %dma_wait3A_417 = tpu.memref_slice %arg3[%dma_wait3A_415, %dma_wait3A_416] : memref<1000000x128xf32, #tpu.memory_space<hbm>> -> memref<1000000x128xf32, #tpu.memory_space<hbm>>
        %dma_wait3A_418 = tpu.memref_slice %arg7[%dma_wait3A_407] : memref<5x!tpu.dma_semaphore, #tpu.memory_space<semaphore_mem>> -> memref<1x!tpu.dma_semaphore, #tpu.memory_space<semaphore_mem>>
        %dma_wait3A_419 = tpu.memref_squeeze %dma_wait3A_418 : memref<1x!tpu.dma_semaphore, #tpu.memory_space<semaphore_mem>> -> memref<!tpu.dma_semaphore, #tpu.memory_space<semaphore_mem>>
        tpu.wait_indirect_dma semaphore(%dma_wait3A_419 : memref<!tpu.dma_semaphore, #tpu.memory_space<semaphore_mem>>) src(%dma_wait3A_417 : memref<1000000x128xf32, #tpu.memory_space<hbm>>) dst(%dma_wait3A_411 : memref<128x128xf32, #tpu.memory_space<vmem>>)
        %add3A_420 = arith.addi %mul3A_2, %sub3A_244 : i32
        %mul3A_421 = arith.constant 128 : i32
        %mul3A_422 = arith.muli %add3A_420, %mul3A_421 : i32
        %dma_start3A_423 = arith.constant 4 : i32
        %dma_start3A_424 = arith.constant 4 : i32
        %dma_start3A_425 = arith.constant 0 : i32
        %dma_start3A_426 = arith.constant 0 : i32
        %dma_start3A_427 = tpu.memref_slice %arg6[%dma_start3A_423, %dma_start3A_425, %dma_start3A_426] : memref<5x128x128xf32, #tpu.memory_space<vmem>> -> memref<1x128x128xf32, #tpu.memory_space<vmem>>
        %dma_start3A_428 = tpu.memref_squeeze %dma_start3A_427 : memref<1x128x128xf32, #tpu.memory_space<vmem>> -> memref<128x128xf32, #tpu.memory_space<vmem>>
        %dma_start3A_429 = arith.constant 0 : i32
        %dma_start3A_430 = tpu.memref_slice %arg4[%mul3A_422, %dma_start3A_429] : memref<819200x128xf32, #tpu.memory_space<hbm>> -> memref<128x128xf32, #tpu.memory_space<hbm>>
        %dma_start3A_431 = tpu.memref_slice %arg8[%dma_start3A_424] : memref<5x!tpu.dma_semaphore, #tpu.memory_space<semaphore_mem>> -> memref<1x!tpu.dma_semaphore, #tpu.memory_space<semaphore_mem>>
        %dma_start3A_432 = tpu.memref_squeeze %dma_start3A_431 : memref<1x!tpu.dma_semaphore, #tpu.memory_space<semaphore_mem>> -> memref<!tpu.dma_semaphore, #tpu.memory_space<semaphore_mem>>
        %dma_start3A_433 = arith.constant 0 : i32
        %dma_start3A_434 = tpu.memref_slice %arg4[%mul3A_422, %dma_start3A_433] : memref<819200x128xf32, #tpu.memory_space<hbm>> -> memref<128x128xf32, #tpu.memory_space<hbm>>
        %dma_start3A_435 = arith.constant 0 : i32
        %dma_start3A_436 = arith.constant 0 : i32
        %dma_start3A_437 = tpu.memref_slice %arg6[%dma_start3A_423, %dma_start3A_435, %dma_start3A_436] : memref<5x128x128xf32, #tpu.memory_space<vmem>> -> memref<1x128x128xf32, #tpu.memory_space<vmem>>
        %dma_start3A_438 = tpu.memref_squeeze %dma_start3A_437 : memref<1x128x128xf32, #tpu.memory_space<vmem>> -> memref<128x128xf32, #tpu.memory_space<vmem>>
        tpu.enqueue_dma source(%dma_start3A_438 : memref<128x128xf32, #tpu.memory_space<vmem>>) target(%dma_start3A_434 : memref<128x128xf32, #tpu.memory_space<hbm>>) target_semaphore(%dma_start3A_432 : memref<!tpu.dma_semaphore, #tpu.memory_space<semaphore_mem>>)
      } else {
      }
      %lt3A_250 = arith.constant 1 : i32
      %lt3A_251 = arith.cmpi slt, %scan3A_211, %lt3A_250 : i32
      %convert_element_type3A_252 = arith.extui %lt3A_251 : i1 to i32
      %cond3A_253 = arith.constant 0 : i32
      %cond3A_254 = arith.cmpi ne, %convert_element_type3A_252, %cond3A_253 : i32
      scf.if %cond3A_254 {
        %dma_start3A_371 = arith.constant 2 : i32
        %dma_start3A_372 = arith.constant 2 : i32
        %dma_start3A_373 = arith.constant 0 : i32
        %dma_start3A_374 = arith.constant 0 : i32
        %dma_start3A_375 = tpu.memref_slice %arg6[%dma_start3A_371, %dma_start3A_373, %dma_start3A_374] : memref<5x128x128xf32, #tpu.memory_space<vmem>> -> memref<1x128x128xf32, #tpu.memory_space<vmem>>
        %dma_start3A_376 = tpu.memref_squeeze %dma_start3A_375 : memref<1x128x128xf32, #tpu.memory_space<vmem>> -> memref<128x128xf32, #tpu.memory_space<vmem>>
        %dma_start3A_377 = arith.constant 0 : i32
        %dma_start3A_378 = tpu.memref_slice %arg5[%add3A_242, %dma_start3A_377] : memref<200x128xi32, #tpu.memory_space<vmem>> -> memref<1x128xi32, #tpu.memory_space<vmem>>
        %dma_start3A_379 = tpu.memref_squeeze %dma_start3A_378 : memref<1x128xi32, #tpu.memory_space<vmem>> -> memref<128xi32, #tpu.memory_space<vmem>>
        %dma_start3A_380 = arith.constant 0 : i32
        %dma_start3A_381 = arith.constant 0 : i32
        %dma_start3A_382 = tpu.memref_slice %arg3[%dma_start3A_380, %dma_start3A_381] : memref<1000000x128xf32, #tpu.memory_space<hbm>> -> memref<1000000x128xf32, #tpu.memory_space<hbm>>
        %dma_start3A_383 = tpu.memref_slice %arg7[%dma_start3A_372] : memref<5x!tpu.dma_semaphore, #tpu.memory_space<semaphore_mem>> -> memref<1x!tpu.dma_semaphore, #tpu.memory_space<semaphore_mem>>
        %dma_start3A_384 = tpu.memref_squeeze %dma_start3A_383 : memref<1x!tpu.dma_semaphore, #tpu.memory_space<semaphore_mem>> -> memref<!tpu.dma_semaphore, #tpu.memory_space<semaphore_mem>>
        tpu.enqueue_indirect_dma source(%dma_start3A_382 : memref<1000000x128xf32, #tpu.memory_space<hbm>>) target(%dma_start3A_376 : memref<128x128xf32, #tpu.memory_space<vmem>>) offsets(%dma_start3A_379 : memref<128xi32, #tpu.memory_space<vmem>>) semaphore(%dma_start3A_384 : memref<!tpu.dma_semaphore, #tpu.memory_space<semaphore_mem>>)
      } else {
      }
      %mul3A_255 = arith.constant 5 : i32
      %mul3A_256 = arith.muli %scan3A_211, %mul3A_255 : i32
      %add3A_257 = arith.constant 3 : i32
      %add3A_258 = arith.addi %mul3A_256, %add3A_257 : i32
      %sub3A_259 = arith.constant 3 : i32
      %sub3A_260 = arith.subi %add3A_258, %sub3A_259 : i32
      %ge3A_261 = arith.constant 1 : i32
      %ge3A_262 = arith.cmpi sge, %scan3A_211, %ge3A_261 : i32
      %convert_element_type3A_263 = arith.extui %ge3A_262 : i1 to i32
      %cond3A_264 = arith.constant 0 : i32
      %cond3A_265 = arith.cmpi ne, %convert_element_type3A_263, %cond3A_264 : i32
      scf.if %cond3A_265 {
        %sub3A_371 = arith.constant 5 : i32
        %sub3A_372 = arith.subi %add3A_258, %sub3A_371 : i32
        %add3A_373 = arith.addi %mul3A_2, %sub3A_372 : i32
        %mul3A_374 = arith.constant 128 : i32
        %mul3A_375 = arith.muli %add3A_373, %mul3A_374 : i32
        %dma_wait3A_376 = arith.constant 3 : i32
        %dma_wait3A_377 = arith.constant 3 : i32
        %dma_wait3A_378 = arith.constant 0 : i32
        %dma_wait3A_379 = arith.constant 0 : i32
        %dma_wait3A_380 = tpu.memref_slice %arg6[%dma_wait3A_376, %dma_wait3A_378, %dma_wait3A_379] : memref<5x128x128xf32, #tpu.memory_space<vmem>> -> memref<1x128x128xf32, #tpu.memory_space<vmem>>
        %dma_wait3A_381 = tpu.memref_squeeze %dma_wait3A_380 : memref<1x128x128xf32, #tpu.memory_space<vmem>> -> memref<128x128xf32, #tpu.memory_space<vmem>>
        %dma_wait3A_382 = arith.constant 0 : i32
        %dma_wait3A_383 = tpu.memref_slice %arg4[%mul3A_375, %dma_wait3A_382] : memref<819200x128xf32, #tpu.memory_space<hbm>> -> memref<128x128xf32, #tpu.memory_space<hbm>>
        %dma_wait3A_384 = tpu.memref_slice %arg8[%dma_wait3A_377] : memref<5x!tpu.dma_semaphore, #tpu.memory_space<semaphore_mem>> -> memref<1x!tpu.dma_semaphore, #tpu.memory_space<semaphore_mem>>
        %dma_wait3A_385 = tpu.memref_squeeze %dma_wait3A_384 : memref<1x!tpu.dma_semaphore, #tpu.memory_space<semaphore_mem>> -> memref<!tpu.dma_semaphore, #tpu.memory_space<semaphore_mem>>
        %dma_wait3A_386 = arith.constant 0 : i32
        %dma_wait3A_387 = tpu.memref_slice %arg4[%mul3A_375, %dma_wait3A_386] : memref<819200x128xf32, #tpu.memory_space<hbm>> -> memref<128x128xf32, #tpu.memory_space<hbm>>
        %dma_wait3A_388 = arith.constant 0 : i32
        %dma_wait3A_389 = arith.constant 0 : i32
        %dma_wait3A_390 = tpu.memref_slice %arg6[%dma_wait3A_376, %dma_wait3A_388, %dma_wait3A_389] : memref<5x128x128xf32, #tpu.memory_space<vmem>> -> memref<1x128x128xf32, #tpu.memory_space<vmem>>
        %dma_wait3A_391 = tpu.memref_squeeze %dma_wait3A_390 : memref<1x128x128xf32, #tpu.memory_space<vmem>> -> memref<128x128xf32, #tpu.memory_space<vmem>>
        tpu.wait_dma2 semaphore(%dma_wait3A_385 : memref<!tpu.dma_semaphore, #tpu.memory_space<semaphore_mem>>) src(%dma_wait3A_391 : memref<128x128xf32, #tpu.memory_space<vmem>>) dst(%dma_wait3A_387 : memref<128x128xf32, #tpu.memory_space<hbm>>)
      } else {
      }
      %dma_start3A_266 = arith.constant 3 : i32
      %dma_start3A_267 = arith.constant 3 : i32
      %dma_start3A_268 = arith.constant 0 : i32
      %dma_start3A_269 = arith.constant 0 : i32
      %dma_start3A_270 = tpu.memref_slice %arg6[%dma_start3A_266, %dma_start3A_268, %dma_start3A_269] : memref<5x128x128xf32, #tpu.memory_space<vmem>> -> memref<1x128x128xf32, #tpu.memory_space<vmem>>
      %dma_start3A_271 = tpu.memref_squeeze %dma_start3A_270 : memref<1x128x128xf32, #tpu.memory_space<vmem>> -> memref<128x128xf32, #tpu.memory_space<vmem>>
      %dma_start3A_272 = arith.constant 0 : i32
      %dma_start3A_273 = tpu.memref_slice %arg5[%add3A_258, %dma_start3A_272] : memref<200x128xi32, #tpu.memory_space<vmem>> -> memref<1x128xi32, #tpu.memory_space<vmem>>
      %dma_start3A_274 = tpu.memref_squeeze %dma_start3A_273 : memref<1x128xi32, #tpu.memory_space<vmem>> -> memref<128xi32, #tpu.memory_space<vmem>>
      %dma_start3A_275 = arith.constant 0 : i32
      %dma_start3A_276 = arith.constant 0 : i32
      %dma_start3A_277 = tpu.memref_slice %arg3[%dma_start3A_275, %dma_start3A_276] : memref<1000000x128xf32, #tpu.memory_space<hbm>> -> memref<1000000x128xf32, #tpu.memory_space<hbm>>
      %dma_start3A_278 = tpu.memref_slice %arg7[%dma_start3A_267] : memref<5x!tpu.dma_semaphore, #tpu.memory_space<semaphore_mem>> -> memref<1x!tpu.dma_semaphore, #tpu.memory_space<semaphore_mem>>
      %dma_start3A_279 = tpu.memref_squeeze %dma_start3A_278 : memref<1x!tpu.dma_semaphore, #tpu.memory_space<semaphore_mem>> -> memref<!tpu.dma_semaphore, #tpu.memory_space<semaphore_mem>>
      tpu.enqueue_indirect_dma source(%dma_start3A_277 : memref<1000000x128xf32, #tpu.memory_space<hbm>>) target(%dma_start3A_271 : memref<128x128xf32, #tpu.memory_space<vmem>>) offsets(%dma_start3A_274 : memref<128xi32, #tpu.memory_space<vmem>>) semaphore(%dma_start3A_279 : memref<!tpu.dma_semaphore, #tpu.memory_space<semaphore_mem>>)
      %dma_wait3A_280 = arith.constant 0 : i32
      %dma_wait3A_281 = arith.constant 0 : i32
      %dma_wait3A_282 = arith.constant 0 : i32
      %dma_wait3A_283 = arith.constant 0 : i32
      %dma_wait3A_284 = tpu.memref_slice %arg6[%dma_wait3A_280, %dma_wait3A_282, %dma_wait3A_283] : memref<5x128x128xf32, #tpu.memory_space<vmem>> -> memref<1x128x128xf32, #tpu.memory_space<vmem>>
      %dma_wait3A_285 = tpu.memref_squeeze %dma_wait3A_284 : memref<1x128x128xf32, #tpu.memory_space<vmem>> -> memref<128x128xf32, #tpu.memory_space<vmem>>
      %dma_wait3A_286 = arith.constant 0 : i32
      %dma_wait3A_287 = tpu.memref_slice %arg5[%sub3A_260, %dma_wait3A_286] : memref<200x128xi32, #tpu.memory_space<vmem>> -> memref<1x128xi32, #tpu.memory_space<vmem>>
      %dma_wait3A_288 = tpu.memref_squeeze %dma_wait3A_287 : memref<1x128xi32, #tpu.memory_space<vmem>> -> memref<128xi32, #tpu.memory_space<vmem>>
      %dma_wait3A_289 = arith.constant 0 : i32
      %dma_wait3A_290 = arith.constant 0 : i32
      %dma_wait3A_291 = tpu.memref_slice %arg3[%dma_wait3A_289, %dma_wait3A_290] : memref<1000000x128xf32, #tpu.memory_space<hbm>> -> memref<1000000x128xf32, #tpu.memory_space<hbm>>
      %dma_wait3A_292 = tpu.memref_slice %arg7[%dma_wait3A_281] : memref<5x!tpu.dma_semaphore, #tpu.memory_space<semaphore_mem>> -> memref<1x!tpu.dma_semaphore, #tpu.memory_space<semaphore_mem>>
      %dma_wait3A_293 = tpu.memref_squeeze %dma_wait3A_292 : memref<1x!tpu.dma_semaphore, #tpu.memory_space<semaphore_mem>> -> memref<!tpu.dma_semaphore, #tpu.memory_space<semaphore_mem>>
      tpu.wait_indirect_dma semaphore(%dma_wait3A_293 : memref<!tpu.dma_semaphore, #tpu.memory_space<semaphore_mem>>) src(%dma_wait3A_291 : memref<1000000x128xf32, #tpu.memory_space<hbm>>) dst(%dma_wait3A_285 : memref<128x128xf32, #tpu.memory_space<vmem>>)
      %add3A_294 = arith.addi %mul3A_2, %sub3A_260 : i32
      %mul3A_295 = arith.constant 128 : i32
      %mul3A_296 = arith.muli %add3A_294, %mul3A_295 : i32
      %dma_start3A_297 = arith.constant 0 : i32
      %dma_start3A_298 = arith.constant 0 : i32
      %dma_start3A_299 = arith.constant 0 : i32
      %dma_start3A_300 = arith.constant 0 : i32
      %dma_start3A_301 = tpu.memref_slice %arg6[%dma_start3A_297, %dma_start3A_299, %dma_start3A_300] : memref<5x128x128xf32, #tpu.memory_space<vmem>> -> memref<1x128x128xf32, #tpu.memory_space<vmem>>
      %dma_start3A_302 = tpu.memref_squeeze %dma_start3A_301 : memref<1x128x128xf32, #tpu.memory_space<vmem>> -> memref<128x128xf32, #tpu.memory_space<vmem>>
      %dma_start3A_303 = arith.constant 0 : i32
      %dma_start3A_304 = tpu.memref_slice %arg4[%mul3A_296, %dma_start3A_303] : memref<819200x128xf32, #tpu.memory_space<hbm>> -> memref<128x128xf32, #tpu.memory_space<hbm>>
      %dma_start3A_305 = tpu.memref_slice %arg8[%dma_start3A_298] : memref<5x!tpu.dma_semaphore, #tpu.memory_space<semaphore_mem>> -> memref<1x!tpu.dma_semaphore, #tpu.memory_space<semaphore_mem>>
      %dma_start3A_306 = tpu.memref_squeeze %dma_start3A_305 : memref<1x!tpu.dma_semaphore, #tpu.memory_space<semaphore_mem>> -> memref<!tpu.dma_semaphore, #tpu.memory_space<semaphore_mem>>
      %dma_start3A_307 = arith.constant 0 : i32
      %dma_start3A_308 = tpu.memref_slice %arg4[%mul3A_296, %dma_start3A_307] : memref<819200x128xf32, #tpu.memory_space<hbm>> -> memref<128x128xf32, #tpu.memory_space<hbm>>
      %dma_start3A_309 = arith.constant 0 : i32
      %dma_start3A_310 = arith.constant 0 : i32
      %dma_start3A_311 = tpu.memref_slice %arg6[%dma_start3A_297, %dma_start3A_309, %dma_start3A_310] : memref<5x128x128xf32, #tpu.memory_space<vmem>> -> memref<1x128x128xf32, #tpu.memory_space<vmem>>
      %dma_start3A_312 = tpu.memref_squeeze %dma_start3A_311 : memref<1x128x128xf32, #tpu.memory_space<vmem>> -> memref<128x128xf32, #tpu.memory_space<vmem>>
      tpu.enqueue_dma source(%dma_start3A_312 : memref<128x128xf32, #tpu.memory_space<vmem>>) target(%dma_start3A_308 : memref<128x128xf32, #tpu.memory_space<hbm>>) target_semaphore(%dma_start3A_306 : memref<!tpu.dma_semaphore, #tpu.memory_space<semaphore_mem>>)
      %mul3A_313 = arith.constant 5 : i32
      %mul3A_314 = arith.muli %scan3A_211, %mul3A_313 : i32
      %add3A_315 = arith.constant 4 : i32
      %add3A_316 = arith.addi %mul3A_314, %add3A_315 : i32
      %sub3A_317 = arith.constant 3 : i32
      %sub3A_318 = arith.subi %add3A_316, %sub3A_317 : i32
      %ge3A_319 = arith.constant 1 : i32
      %ge3A_320 = arith.cmpi sge, %scan3A_211, %ge3A_319 : i32
      %convert_element_type3A_321 = arith.extui %ge3A_320 : i1 to i32
      %cond3A_322 = arith.constant 0 : i32
      %cond3A_323 = arith.cmpi ne, %convert_element_type3A_321, %cond3A_322 : i32
      scf.if %cond3A_323 {
        %sub3A_371 = arith.constant 5 : i32
        %sub3A_372 = arith.subi %add3A_316, %sub3A_371 : i32
        %add3A_373 = arith.addi %mul3A_2, %sub3A_372 : i32
        %mul3A_374 = arith.constant 128 : i32
        %mul3A_375 = arith.muli %add3A_373, %mul3A_374 : i32
        %dma_wait3A_376 = arith.constant 4 : i32
        %dma_wait3A_377 = arith.constant 4 : i32
        %dma_wait3A_378 = arith.constant 0 : i32
        %dma_wait3A_379 = arith.constant 0 : i32
        %dma_wait3A_380 = tpu.memref_slice %arg6[%dma_wait3A_376, %dma_wait3A_378, %dma_wait3A_379] : memref<5x128x128xf32, #tpu.memory_space<vmem>> -> memref<1x128x128xf32, #tpu.memory_space<vmem>>
        %dma_wait3A_381 = tpu.memref_squeeze %dma_wait3A_380 : memref<1x128x128xf32, #tpu.memory_space<vmem>> -> memref<128x128xf32, #tpu.memory_space<vmem>>
        %dma_wait3A_382 = arith.constant 0 : i32
        %dma_wait3A_383 = tpu.memref_slice %arg4[%mul3A_375, %dma_wait3A_382] : memref<819200x128xf32, #tpu.memory_space<hbm>> -> memref<128x128xf32, #tpu.memory_space<hbm>>
        %dma_wait3A_384 = tpu.memref_slice %arg8[%dma_wait3A_377] : memref<5x!tpu.dma_semaphore, #tpu.memory_space<semaphore_mem>> -> memref<1x!tpu.dma_semaphore, #tpu.memory_space<semaphore_mem>>
        %dma_wait3A_385 = tpu.memref_squeeze %dma_wait3A_384 : memref<1x!tpu.dma_semaphore, #tpu.memory_space<semaphore_mem>> -> memref<!tpu.dma_semaphore, #tpu.memory_space<semaphore_mem>>
        %dma_wait3A_386 = arith.constant 0 : i32
        %dma_wait3A_387 = tpu.memref_slice %arg4[%mul3A_375, %dma_wait3A_386] : memref<819200x128xf32, #tpu.memory_space<hbm>> -> memref<128x128xf32, #tpu.memory_space<hbm>>
        %dma_wait3A_388 = arith.constant 0 : i32
        %dma_wait3A_389 = arith.constant 0 : i32
        %dma_wait3A_390 = tpu.memref_slice %arg6[%dma_wait3A_376, %dma_wait3A_388, %dma_wait3A_389] : memref<5x128x128xf32, #tpu.memory_space<vmem>> -> memref<1x128x128xf32, #tpu.memory_space<vmem>>
        %dma_wait3A_391 = tpu.memref_squeeze %dma_wait3A_390 : memref<1x128x128xf32, #tpu.memory_space<vmem>> -> memref<128x128xf32, #tpu.memory_space<vmem>>
        tpu.wait_dma2 semaphore(%dma_wait3A_385 : memref<!tpu.dma_semaphore, #tpu.memory_space<semaphore_mem>>) src(%dma_wait3A_391 : memref<128x128xf32, #tpu.memory_space<vmem>>) dst(%dma_wait3A_387 : memref<128x128xf32, #tpu.memory_space<hbm>>)
      } else {
      }
      %dma_start3A_324 = arith.constant 4 : i32
      %dma_start3A_325 = arith.constant 4 : i32
      %dma_start3A_326 = arith.constant 0 : i32
      %dma_start3A_327 = arith.constant 0 : i32
      %dma_start3A_328 = tpu.memref_slice %arg6[%dma_start3A_324, %dma_start3A_326, %dma_start3A_327] : memref<5x128x128xf32, #tpu.memory_space<vmem>> -> memref<1x128x128xf32, #tpu.memory_space<vmem>>
      %dma_start3A_329 = tpu.memref_squeeze %dma_start3A_328 : memref<1x128x128xf32, #tpu.memory_space<vmem>> -> memref<128x128xf32, #tpu.memory_space<vmem>>
      %dma_start3A_330 = arith.constant 0 : i32
      %dma_start3A_331 = tpu.memref_slice %arg5[%add3A_316, %dma_start3A_330] : memref<200x128xi32, #tpu.memory_space<vmem>> -> memref<1x128xi32, #tpu.memory_space<vmem>>
      %dma_start3A_332 = tpu.memref_squeeze %dma_start3A_331 : memref<1x128xi32, #tpu.memory_space<vmem>> -> memref<128xi32, #tpu.memory_space<vmem>>
      %dma_start3A_333 = arith.constant 0 : i32
      %dma_start3A_334 = arith.constant 0 : i32
      %dma_start3A_335 = tpu.memref_slice %arg3[%dma_start3A_333, %dma_start3A_334] : memref<1000000x128xf32, #tpu.memory_space<hbm>> -> memref<1000000x128xf32, #tpu.memory_space<hbm>>
      %dma_start3A_336 = tpu.memref_slice %arg7[%dma_start3A_325] : memref<5x!tpu.dma_semaphore, #tpu.memory_space<semaphore_mem>> -> memref<1x!tpu.dma_semaphore, #tpu.memory_space<semaphore_mem>>
      %dma_start3A_337 = tpu.memref_squeeze %dma_start3A_336 : memref<1x!tpu.dma_semaphore, #tpu.memory_space<semaphore_mem>> -> memref<!tpu.dma_semaphore, #tpu.memory_space<semaphore_mem>>
      tpu.enqueue_indirect_dma source(%dma_start3A_335 : memref<1000000x128xf32, #tpu.memory_space<hbm>>) target(%dma_start3A_329 : memref<128x128xf32, #tpu.memory_space<vmem>>) offsets(%dma_start3A_332 : memref<128xi32, #tpu.memory_space<vmem>>) semaphore(%dma_start3A_337 : memref<!tpu.dma_semaphore, #tpu.memory_space<semaphore_mem>>)
      %dma_wait3A_338 = arith.constant 1 : i32
      %dma_wait3A_339 = arith.constant 1 : i32
      %dma_wait3A_340 = arith.constant 0 : i32
      %dma_wait3A_341 = arith.constant 0 : i32
      %dma_wait3A_342 = tpu.memref_slice %arg6[%dma_wait3A_338, %dma_wait3A_340, %dma_wait3A_341] : memref<5x128x128xf32, #tpu.memory_space<vmem>> -> memref<1x128x128xf32, #tpu.memory_space<vmem>>
      %dma_wait3A_343 = tpu.memref_squeeze %dma_wait3A_342 : memref<1x128x128xf32, #tpu.memory_space<vmem>> -> memref<128x128xf32, #tpu.memory_space<vmem>>
      %dma_wait3A_344 = arith.constant 0 : i32
      %dma_wait3A_345 = tpu.memref_slice %arg5[%sub3A_318, %dma_wait3A_344] : memref<200x128xi32, #tpu.memory_space<vmem>> -> memref<1x128xi32, #tpu.memory_space<vmem>>
      %dma_wait3A_346 = tpu.memref_squeeze %dma_wait3A_345 : memref<1x128xi32, #tpu.memory_space<vmem>> -> memref<128xi32, #tpu.memory_space<vmem>>
      %dma_wait3A_347 = arith.constant 0 : i32
      %dma_wait3A_348 = arith.constant 0 : i32
      %dma_wait3A_349 = tpu.memref_slice %arg3[%dma_wait3A_347, %dma_wait3A_348] : memref<1000000x128xf32, #tpu.memory_space<hbm>> -> memref<1000000x128xf32, #tpu.memory_space<hbm>>
      %dma_wait3A_350 = tpu.memref_slice %arg7[%dma_wait3A_339] : memref<5x!tpu.dma_semaphore, #tpu.memory_space<semaphore_mem>> -> memref<1x!tpu.dma_semaphore, #tpu.memory_space<semaphore_mem>>
      %dma_wait3A_351 = tpu.memref_squeeze %dma_wait3A_350 : memref<1x!tpu.dma_semaphore, #tpu.memory_space<semaphore_mem>> -> memref<!tpu.dma_semaphore, #tpu.memory_space<semaphore_mem>>
      tpu.wait_indirect_dma semaphore(%dma_wait3A_351 : memref<!tpu.dma_semaphore, #tpu.memory_space<semaphore_mem>>) src(%dma_wait3A_349 : memref<1000000x128xf32, #tpu.memory_space<hbm>>) dst(%dma_wait3A_343 : memref<128x128xf32, #tpu.memory_space<vmem>>)
      %add3A_352 = arith.addi %mul3A_2, %sub3A_318 : i32
      %mul3A_353 = arith.constant 128 : i32
      %mul3A_354 = arith.muli %add3A_352, %mul3A_353 : i32
      %dma_start3A_355 = arith.constant 1 : i32
      %dma_start3A_356 = arith.constant 1 : i32
      %dma_start3A_357 = arith.constant 0 : i32
      %dma_start3A_358 = arith.constant 0 : i32
      %dma_start3A_359 = tpu.memref_slice %arg6[%dma_start3A_355, %dma_start3A_357, %dma_start3A_358] : memref<5x128x128xf32, #tpu.memory_space<vmem>> -> memref<1x128x128xf32, #tpu.memory_space<vmem>>
      %dma_start3A_360 = tpu.memref_squeeze %dma_start3A_359 : memref<1x128x128xf32, #tpu.memory_space<vmem>> -> memref<128x128xf32, #tpu.memory_space<vmem>>
      %dma_start3A_361 = arith.constant 0 : i32
      %dma_start3A_362 = tpu.memref_slice %arg4[%mul3A_354, %dma_start3A_361] : memref<819200x128xf32, #tpu.memory_space<hbm>> -> memref<128x128xf32, #tpu.memory_space<hbm>>
      %dma_start3A_363 = tpu.memref_slice %arg8[%dma_start3A_356] : memref<5x!tpu.dma_semaphore, #tpu.memory_space<semaphore_mem>> -> memref<1x!tpu.dma_semaphore, #tpu.memory_space<semaphore_mem>>
      %dma_start3A_364 = tpu.memref_squeeze %dma_start3A_363 : memref<1x!tpu.dma_semaphore, #tpu.memory_space<semaphore_mem>> -> memref<!tpu.dma_semaphore, #tpu.memory_space<semaphore_mem>>
      %dma_start3A_365 = arith.constant 0 : i32
      %dma_start3A_366 = tpu.memref_slice %arg4[%mul3A_354, %dma_start3A_365] : memref<819200x128xf32, #tpu.memory_space<hbm>> -> memref<128x128xf32, #tpu.memory_space<hbm>>
      %dma_start3A_367 = arith.constant 0 : i32
      %dma_start3A_368 = arith.constant 0 : i32
      %dma_start3A_369 = tpu.memref_slice %arg6[%dma_start3A_355, %dma_start3A_367, %dma_start3A_368] : memref<5x128x128xf32, #tpu.memory_space<vmem>> -> memref<1x128x128xf32, #tpu.memory_space<vmem>>
      %dma_start3A_370 = tpu.memref_squeeze %dma_start3A_369 : memref<1x128x128xf32, #tpu.memory_space<vmem>> -> memref<128x128xf32, #tpu.memory_space<vmem>>
      tpu.enqueue_dma source(%dma_start3A_370 : memref<128x128xf32, #tpu.memory_space<vmem>>) target(%dma_start3A_366 : memref<128x128xf32, #tpu.memory_space<hbm>>) target_semaphore(%dma_start3A_364 : memref<!tpu.dma_semaphore, #tpu.memory_space<semaphore_mem>>)
    }
    %scan3A_7 = arith.constant 40 : i32
    %dma_wait3A = arith.constant 197 : i32
    %dma_wait3A_8 = arith.constant 2 : i32
    %dma_wait3A_9 = arith.constant 2 : i32
    %dma_wait3A_10 = arith.constant 0 : i32
    %dma_wait3A_11 = arith.constant 0 : i32
    %dma_wait3A_12 = tpu.memref_slice %arg6[%dma_wait3A_8, %dma_wait3A_10, %dma_wait3A_11] : memref<5x128x128xf32, #tpu.memory_space<vmem>> -> memref<1x128x128xf32, #tpu.memory_space<vmem>>
    %dma_wait3A_13 = tpu.memref_squeeze %dma_wait3A_12 : memref<1x128x128xf32, #tpu.memory_space<vmem>> -> memref<128x128xf32, #tpu.memory_space<vmem>>
    %dma_wait3A_14 = arith.constant 0 : i32
    %dma_wait3A_15 = tpu.memref_slice %arg5[%dma_wait3A, %dma_wait3A_14] : memref<200x128xi32, #tpu.memory_space<vmem>> -> memref<1x128xi32, #tpu.memory_space<vmem>>
    %dma_wait3A_16 = tpu.memref_squeeze %dma_wait3A_15 : memref<1x128xi32, #tpu.memory_space<vmem>> -> memref<128xi32, #tpu.memory_space<vmem>>
    %dma_wait3A_17 = arith.constant 0 : i32
    %dma_wait3A_18 = arith.constant 0 : i32
    %dma_wait3A_19 = tpu.memref_slice %arg3[%dma_wait3A_17, %dma_wait3A_18] : memref<1000000x128xf32, #tpu.memory_space<hbm>> -> memref<1000000x128xf32, #tpu.memory_space<hbm>>
    %dma_wait3A_20 = tpu.memref_slice %arg7[%dma_wait3A_9] : memref<5x!tpu.dma_semaphore, #tpu.memory_space<semaphore_mem>> -> memref<1x!tpu.dma_semaphore, #tpu.memory_space<semaphore_mem>>
    %dma_wait3A_21 = tpu.memref_squeeze %dma_wait3A_20 : memref<1x!tpu.dma_semaphore, #tpu.memory_space<semaphore_mem>> -> memref<!tpu.dma_semaphore, #tpu.memory_space<semaphore_mem>>
    tpu.wait_indirect_dma semaphore(%dma_wait3A_21 : memref<!tpu.dma_semaphore, #tpu.memory_space<semaphore_mem>>) src(%dma_wait3A_19 : memref<1000000x128xf32, #tpu.memory_space<hbm>>) dst(%dma_wait3A_13 : memref<128x128xf32, #tpu.memory_space<vmem>>)
    %add3A_22 = arith.constant 197 : i32
    %add3A_23 = arith.addi %mul3A_2, %add3A_22 : i32
    %mul3A_24 = arith.constant 128 : i32
    %mul3A_25 = arith.muli %add3A_23, %mul3A_24 : i32
    %dma_start3A = arith.constant 2 : i32
    %dma_start3A_26 = arith.constant 2 : i32
    %dma_start3A_27 = arith.constant 0 : i32
    %dma_start3A_28 = arith.constant 0 : i32
    %dma_start3A_29 = tpu.memref_slice %arg6[%dma_start3A, %dma_start3A_27, %dma_start3A_28] : memref<5x128x128xf32, #tpu.memory_space<vmem>> -> memref<1x128x128xf32, #tpu.memory_space<vmem>>
    %dma_start3A_30 = tpu.memref_squeeze %dma_start3A_29 : memref<1x128x128xf32, #tpu.memory_space<vmem>> -> memref<128x128xf32, #tpu.memory_space<vmem>>
    %dma_start3A_31 = arith.constant 0 : i32
    %dma_start3A_32 = tpu.memref_slice %arg4[%mul3A_25, %dma_start3A_31] : memref<819200x128xf32, #tpu.memory_space<hbm>> -> memref<128x128xf32, #tpu.memory_space<hbm>>
    %dma_start3A_33 = tpu.memref_slice %arg8[%dma_start3A_26] : memref<5x!tpu.dma_semaphore, #tpu.memory_space<semaphore_mem>> -> memref<1x!tpu.dma_semaphore, #tpu.memory_space<semaphore_mem>>
    %dma_start3A_34 = tpu.memref_squeeze %dma_start3A_33 : memref<1x!tpu.dma_semaphore, #tpu.memory_space<semaphore_mem>> -> memref<!tpu.dma_semaphore, #tpu.memory_space<semaphore_mem>>
    %dma_start3A_35 = arith.constant 0 : i32
    %dma_start3A_36 = tpu.memref_slice %arg4[%mul3A_25, %dma_start3A_35] : memref<819200x128xf32, #tpu.memory_space<hbm>> -> memref<128x128xf32, #tpu.memory_space<hbm>>
    %dma_start3A_37 = arith.constant 0 : i32
    %dma_start3A_38 = arith.constant 0 : i32
    %dma_start3A_39 = tpu.memref_slice %arg6[%dma_start3A, %dma_start3A_37, %dma_start3A_38] : memref<5x128x128xf32, #tpu.memory_space<vmem>> -> memref<1x128x128xf32, #tpu.memory_space<vmem>>
    %dma_start3A_40 = tpu.memref_squeeze %dma_start3A_39 : memref<1x128x128xf32, #tpu.memory_space<vmem>> -> memref<128x128xf32, #tpu.memory_space<vmem>>
    tpu.enqueue_dma source(%dma_start3A_40 : memref<128x128xf32, #tpu.memory_space<vmem>>) target(%dma_start3A_36 : memref<128x128xf32, #tpu.memory_space<hbm>>) target_semaphore(%dma_start3A_34 : memref<!tpu.dma_semaphore, #tpu.memory_space<semaphore_mem>>)
    %dma_wait3A_41 = arith.constant 198 : i32
    %dma_wait3A_42 = arith.constant 3 : i32
    %dma_wait3A_43 = arith.constant 3 : i32
    %dma_wait3A_44 = arith.constant 0 : i32
    %dma_wait3A_45 = arith.constant 0 : i32
    %dma_wait3A_46 = tpu.memref_slice %arg6[%dma_wait3A_42, %dma_wait3A_44, %dma_wait3A_45] : memref<5x128x128xf32, #tpu.memory_space<vmem>> -> memref<1x128x128xf32, #tpu.memory_space<vmem>>
    %dma_wait3A_47 = tpu.memref_squeeze %dma_wait3A_46 : memref<1x128x128xf32, #tpu.memory_space<vmem>> -> memref<128x128xf32, #tpu.memory_space<vmem>>
    %dma_wait3A_48 = arith.constant 0 : i32
    %dma_wait3A_49 = tpu.memref_slice %arg5[%dma_wait3A_41, %dma_wait3A_48] : memref<200x128xi32, #tpu.memory_space<vmem>> -> memref<1x128xi32, #tpu.memory_space<vmem>>
    %dma_wait3A_50 = tpu.memref_squeeze %dma_wait3A_49 : memref<1x128xi32, #tpu.memory_space<vmem>> -> memref<128xi32, #tpu.memory_space<vmem>>
    %dma_wait3A_51 = arith.constant 0 : i32
    %dma_wait3A_52 = arith.constant 0 : i32
    %dma_wait3A_53 = tpu.memref_slice %arg3[%dma_wait3A_51, %dma_wait3A_52] : memref<1000000x128xf32, #tpu.memory_space<hbm>> -> memref<1000000x128xf32, #tpu.memory_space<hbm>>
    %dma_wait3A_54 = tpu.memref_slice %arg7[%dma_wait3A_43] : memref<5x!tpu.dma_semaphore, #tpu.memory_space<semaphore_mem>> -> memref<1x!tpu.dma_semaphore, #tpu.memory_space<semaphore_mem>>
    %dma_wait3A_55 = tpu.memref_squeeze %dma_wait3A_54 : memref<1x!tpu.dma_semaphore, #tpu.memory_space<semaphore_mem>> -> memref<!tpu.dma_semaphore, #tpu.memory_space<semaphore_mem>>
    tpu.wait_indirect_dma semaphore(%dma_wait3A_55 : memref<!tpu.dma_semaphore, #tpu.memory_space<semaphore_mem>>) src(%dma_wait3A_53 : memref<1000000x128xf32, #tpu.memory_space<hbm>>) dst(%dma_wait3A_47 : memref<128x128xf32, #tpu.memory_space<vmem>>)
    %add3A_56 = arith.constant 198 : i32
    %add3A_57 = arith.addi %mul3A_2, %add3A_56 : i32
    %mul3A_58 = arith.constant 128 : i32
    %mul3A_59 = arith.muli %add3A_57, %mul3A_58 : i32
    %dma_start3A_60 = arith.constant 3 : i32
    %dma_start3A_61 = arith.constant 3 : i32
    %dma_start3A_62 = arith.constant 0 : i32
    %dma_start3A_63 = arith.constant 0 : i32
    %dma_start3A_64 = tpu.memref_slice %arg6[%dma_start3A_60, %dma_start3A_62, %dma_start3A_63] : memref<5x128x128xf32, #tpu.memory_space<vmem>> -> memref<1x128x128xf32, #tpu.memory_space<vmem>>
    %dma_start3A_65 = tpu.memref_squeeze %dma_start3A_64 : memref<1x128x128xf32, #tpu.memory_space<vmem>> -> memref<128x128xf32, #tpu.memory_space<vmem>>
    %dma_start3A_66 = arith.constant 0 : i32
    %dma_start3A_67 = tpu.memref_slice %arg4[%mul3A_59, %dma_start3A_66] : memref<819200x128xf32, #tpu.memory_space<hbm>> -> memref<128x128xf32, #tpu.memory_space<hbm>>
    %dma_start3A_68 = tpu.memref_slice %arg8[%dma_start3A_61] : memref<5x!tpu.dma_semaphore, #tpu.memory_space<semaphore_mem>> -> memref<1x!tpu.dma_semaphore, #tpu.memory_space<semaphore_mem>>
    %dma_start3A_69 = tpu.memref_squeeze %dma_start3A_68 : memref<1x!tpu.dma_semaphore, #tpu.memory_space<semaphore_mem>> -> memref<!tpu.dma_semaphore, #tpu.memory_space<semaphore_mem>>
    %dma_start3A_70 = arith.constant 0 : i32
    %dma_start3A_71 = tpu.memref_slice %arg4[%mul3A_59, %dma_start3A_70] : memref<819200x128xf32, #tpu.memory_space<hbm>> -> memref<128x128xf32, #tpu.memory_space<hbm>>
    %dma_start3A_72 = arith.constant 0 : i32
    %dma_start3A_73 = arith.constant 0 : i32
    %dma_start3A_74 = tpu.memref_slice %arg6[%dma_start3A_60, %dma_start3A_72, %dma_start3A_73] : memref<5x128x128xf32, #tpu.memory_space<vmem>> -> memref<1x128x128xf32, #tpu.memory_space<vmem>>
    %dma_start3A_75 = tpu.memref_squeeze %dma_start3A_74 : memref<1x128x128xf32, #tpu.memory_space<vmem>> -> memref<128x128xf32, #tpu.memory_space<vmem>>
    tpu.enqueue_dma source(%dma_start3A_75 : memref<128x128xf32, #tpu.memory_space<vmem>>) target(%dma_start3A_71 : memref<128x128xf32, #tpu.memory_space<hbm>>) target_semaphore(%dma_start3A_69 : memref<!tpu.dma_semaphore, #tpu.memory_space<semaphore_mem>>)
    %dma_wait3A_76 = arith.constant 199 : i32
    %dma_wait3A_77 = arith.constant 4 : i32
    %dma_wait3A_78 = arith.constant 4 : i32
    %dma_wait3A_79 = arith.constant 0 : i32
    %dma_wait3A_80 = arith.constant 0 : i32
    %dma_wait3A_81 = tpu.memref_slice %arg6[%dma_wait3A_77, %dma_wait3A_79, %dma_wait3A_80] : memref<5x128x128xf32, #tpu.memory_space<vmem>> -> memref<1x128x128xf32, #tpu.memory_space<vmem>>
    %dma_wait3A_82 = tpu.memref_squeeze %dma_wait3A_81 : memref<1x128x128xf32, #tpu.memory_space<vmem>> -> memref<128x128xf32, #tpu.memory_space<vmem>>
    %dma_wait3A_83 = arith.constant 0 : i32
    %dma_wait3A_84 = tpu.memref_slice %arg5[%dma_wait3A_76, %dma_wait3A_83] : memref<200x128xi32, #tpu.memory_space<vmem>> -> memref<1x128xi32, #tpu.memory_space<vmem>>
    %dma_wait3A_85 = tpu.memref_squeeze %dma_wait3A_84 : memref<1x128xi32, #tpu.memory_space<vmem>> -> memref<128xi32, #tpu.memory_space<vmem>>
    %dma_wait3A_86 = arith.constant 0 : i32
    %dma_wait3A_87 = arith.constant 0 : i32
    %dma_wait3A_88 = tpu.memref_slice %arg3[%dma_wait3A_86, %dma_wait3A_87] : memref<1000000x128xf32, #tpu.memory_space<hbm>> -> memref<1000000x128xf32, #tpu.memory_space<hbm>>
    %dma_wait3A_89 = tpu.memref_slice %arg7[%dma_wait3A_78] : memref<5x!tpu.dma_semaphore, #tpu.memory_space<semaphore_mem>> -> memref<1x!tpu.dma_semaphore, #tpu.memory_space<semaphore_mem>>
    %dma_wait3A_90 = tpu.memref_squeeze %dma_wait3A_89 : memref<1x!tpu.dma_semaphore, #tpu.memory_space<semaphore_mem>> -> memref<!tpu.dma_semaphore, #tpu.memory_space<semaphore_mem>>
    tpu.wait_indirect_dma semaphore(%dma_wait3A_90 : memref<!tpu.dma_semaphore, #tpu.memory_space<semaphore_mem>>) src(%dma_wait3A_88 : memref<1000000x128xf32, #tpu.memory_space<hbm>>) dst(%dma_wait3A_82 : memref<128x128xf32, #tpu.memory_space<vmem>>)
    %add3A_91 = arith.constant 199 : i32
    %add3A_92 = arith.addi %mul3A_2, %add3A_91 : i32
    %mul3A_93 = arith.constant 128 : i32
    %mul3A_94 = arith.muli %add3A_92, %mul3A_93 : i32
    %dma_start3A_95 = arith.constant 4 : i32
    %dma_start3A_96 = arith.constant 4 : i32
    %dma_start3A_97 = arith.constant 0 : i32
    %dma_start3A_98 = arith.constant 0 : i32
    %dma_start3A_99 = tpu.memref_slice %arg6[%dma_start3A_95, %dma_start3A_97, %dma_start3A_98] : memref<5x128x128xf32, #tpu.memory_space<vmem>> -> memref<1x128x128xf32, #tpu.memory_space<vmem>>
    %dma_start3A_100 = tpu.memref_squeeze %dma_start3A_99 : memref<1x128x128xf32, #tpu.memory_space<vmem>> -> memref<128x128xf32, #tpu.memory_space<vmem>>
    %dma_start3A_101 = arith.constant 0 : i32
    %dma_start3A_102 = tpu.memref_slice %arg4[%mul3A_94, %dma_start3A_101] : memref<819200x128xf32, #tpu.memory_space<hbm>> -> memref<128x128xf32, #tpu.memory_space<hbm>>
    %dma_start3A_103 = tpu.memref_slice %arg8[%dma_start3A_96] : memref<5x!tpu.dma_semaphore, #tpu.memory_space<semaphore_mem>> -> memref<1x!tpu.dma_semaphore, #tpu.memory_space<semaphore_mem>>
    %dma_start3A_104 = tpu.memref_squeeze %dma_start3A_103 : memref<1x!tpu.dma_semaphore, #tpu.memory_space<semaphore_mem>> -> memref<!tpu.dma_semaphore, #tpu.memory_space<semaphore_mem>>
    %dma_start3A_105 = arith.constant 0 : i32
    %dma_start3A_106 = tpu.memref_slice %arg4[%mul3A_94, %dma_start3A_105] : memref<819200x128xf32, #tpu.memory_space<hbm>> -> memref<128x128xf32, #tpu.memory_space<hbm>>
    %dma_start3A_107 = arith.constant 0 : i32
    %dma_start3A_108 = arith.constant 0 : i32
    %dma_start3A_109 = tpu.memref_slice %arg6[%dma_start3A_95, %dma_start3A_107, %dma_start3A_108] : memref<5x128x128xf32, #tpu.memory_space<vmem>> -> memref<1x128x128xf32, #tpu.memory_space<vmem>>
    %dma_start3A_110 = tpu.memref_squeeze %dma_start3A_109 : memref<1x128x128xf32, #tpu.memory_space<vmem>> -> memref<128x128xf32, #tpu.memory_space<vmem>>
    tpu.enqueue_dma source(%dma_start3A_110 : memref<128x128xf32, #tpu.memory_space<vmem>>) target(%dma_start3A_106 : memref<128x128xf32, #tpu.memory_space<hbm>>) target_semaphore(%dma_start3A_104 : memref<!tpu.dma_semaphore, #tpu.memory_space<semaphore_mem>>)
    %add3A_111 = arith.constant 195 : i32
    %add3A_112 = arith.addi %mul3A_2, %add3A_111 : i32
    %mul3A_113 = arith.constant 128 : i32
    %mul3A_114 = arith.muli %add3A_112, %mul3A_113 : i32
    %dma_wait3A_115 = arith.constant 0 : i32
    %dma_wait3A_116 = arith.constant 0 : i32
    %dma_wait3A_117 = arith.constant 0 : i32
    %dma_wait3A_118 = arith.constant 0 : i32
    %dma_wait3A_119 = tpu.memref_slice %arg6[%dma_wait3A_115, %dma_wait3A_117, %dma_wait3A_118] : memref<5x128x128xf32, #tpu.memory_space<vmem>> -> memref<1x128x128xf32, #tpu.memory_space<vmem>>
    %dma_wait3A_120 = tpu.memref_squeeze %dma_wait3A_119 : memref<1x128x128xf32, #tpu.memory_space<vmem>> -> memref<128x128xf32, #tpu.memory_space<vmem>>
    %dma_wait3A_121 = arith.constant 0 : i32
    %dma_wait3A_122 = tpu.memref_slice %arg4[%mul3A_114, %dma_wait3A_121] : memref<819200x128xf32, #tpu.memory_space<hbm>> -> memref<128x128xf32, #tpu.memory_space<hbm>>
    %dma_wait3A_123 = tpu.memref_slice %arg8[%dma_wait3A_116] : memref<5x!tpu.dma_semaphore, #tpu.memory_space<semaphore_mem>> -> memref<1x!tpu.dma_semaphore, #tpu.memory_space<semaphore_mem>>
    %dma_wait3A_124 = tpu.memref_squeeze %dma_wait3A_123 : memref<1x!tpu.dma_semaphore, #tpu.memory_space<semaphore_mem>> -> memref<!tpu.dma_semaphore, #tpu.memory_space<semaphore_mem>>
    %dma_wait3A_125 = arith.constant 0 : i32
    %dma_wait3A_126 = tpu.memref_slice %arg4[%mul3A_114, %dma_wait3A_125] : memref<819200x128xf32, #tpu.memory_space<hbm>> -> memref<128x128xf32, #tpu.memory_space<hbm>>
    %dma_wait3A_127 = arith.constant 0 : i32
    %dma_wait3A_128 = arith.constant 0 : i32
    %dma_wait3A_129 = tpu.memref_slice %arg6[%dma_wait3A_115, %dma_wait3A_127, %dma_wait3A_128] : memref<5x128x128xf32, #tpu.memory_space<vmem>> -> memref<1x128x128xf32, #tpu.memory_space<vmem>>
    %dma_wait3A_130 = tpu.memref_squeeze %dma_wait3A_129 : memref<1x128x128xf32, #tpu.memory_space<vmem>> -> memref<128x128xf32, #tpu.memory_space<vmem>>
    tpu.wait_dma2 semaphore(%dma_wait3A_124 : memref<!tpu.dma_semaphore, #tpu.memory_space<semaphore_mem>>) src(%dma_wait3A_130 : memref<128x128xf32, #tpu.memory_space<vmem>>) dst(%dma_wait3A_126 : memref<128x128xf32, #tpu.memory_space<hbm>>)
    %add3A_131 = arith.constant 196 : i32
    %add3A_132 = arith.addi %mul3A_2, %add3A_131 : i32
    %mul3A_133 = arith.constant 128 : i32
    %mul3A_134 = arith.muli %add3A_132, %mul3A_133 : i32
    %dma_wait3A_135 = arith.constant 1 : i32
    %dma_wait3A_136 = arith.constant 1 : i32
    %dma_wait3A_137 = arith.constant 0 : i32
    %dma_wait3A_138 = arith.constant 0 : i32
    %dma_wait3A_139 = tpu.memref_slice %arg6[%dma_wait3A_135, %dma_wait3A_137, %dma_wait3A_138] : memref<5x128x128xf32, #tpu.memory_space<vmem>> -> memref<1x128x128xf32, #tpu.memory_space<vmem>>
    %dma_wait3A_140 = tpu.memref_squeeze %dma_wait3A_139 : memref<1x128x128xf32, #tpu.memory_space<vmem>> -> memref<128x128xf32, #tpu.memory_space<vmem>>
    %dma_wait3A_141 = arith.constant 0 : i32
    %dma_wait3A_142 = tpu.memref_slice %arg4[%mul3A_134, %dma_wait3A_141] : memref<819200x128xf32, #tpu.memory_space<hbm>> -> memref<128x128xf32, #tpu.memory_space<hbm>>
    %dma_wait3A_143 = tpu.memref_slice %arg8[%dma_wait3A_136] : memref<5x!tpu.dma_semaphore, #tpu.memory_space<semaphore_mem>> -> memref<1x!tpu.dma_semaphore, #tpu.memory_space<semaphore_mem>>
    %dma_wait3A_144 = tpu.memref_squeeze %dma_wait3A_143 : memref<1x!tpu.dma_semaphore, #tpu.memory_space<semaphore_mem>> -> memref<!tpu.dma_semaphore, #tpu.memory_space<semaphore_mem>>
    %dma_wait3A_145 = arith.constant 0 : i32
    %dma_wait3A_146 = tpu.memref_slice %arg4[%mul3A_134, %dma_wait3A_145] : memref<819200x128xf32, #tpu.memory_space<hbm>> -> memref<128x128xf32, #tpu.memory_space<hbm>>
    %dma_wait3A_147 = arith.constant 0 : i32
    %dma_wait3A_148 = arith.constant 0 : i32
    %dma_wait3A_149 = tpu.memref_slice %arg6[%dma_wait3A_135, %dma_wait3A_147, %dma_wait3A_148] : memref<5x128x128xf32, #tpu.memory_space<vmem>> -> memref<1x128x128xf32, #tpu.memory_space<vmem>>
    %dma_wait3A_150 = tpu.memref_squeeze %dma_wait3A_149 : memref<1x128x128xf32, #tpu.memory_space<vmem>> -> memref<128x128xf32, #tpu.memory_space<vmem>>
    tpu.wait_dma2 semaphore(%dma_wait3A_144 : memref<!tpu.dma_semaphore, #tpu.memory_space<semaphore_mem>>) src(%dma_wait3A_150 : memref<128x128xf32, #tpu.memory_space<vmem>>) dst(%dma_wait3A_146 : memref<128x128xf32, #tpu.memory_space<hbm>>)
    %add3A_151 = arith.constant 197 : i32
    %add3A_152 = arith.addi %mul3A_2, %add3A_151 : i32
    %mul3A_153 = arith.constant 128 : i32
    %mul3A_154 = arith.muli %add3A_152, %mul3A_153 : i32
    %dma_wait3A_155 = arith.constant 2 : i32
    %dma_wait3A_156 = arith.constant 2 : i32
    %dma_wait3A_157 = arith.constant 0 : i32
    %dma_wait3A_158 = arith.constant 0 : i32
    %dma_wait3A_159 = tpu.memref_slice %arg6[%dma_wait3A_155, %dma_wait3A_157, %dma_wait3A_158] : memref<5x128x128xf32, #tpu.memory_space<vmem>> -> memref<1x128x128xf32, #tpu.memory_space<vmem>>
    %dma_wait3A_160 = tpu.memref_squeeze %dma_wait3A_159 : memref<1x128x128xf32, #tpu.memory_space<vmem>> -> memref<128x128xf32, #tpu.memory_space<vmem>>
    %dma_wait3A_161 = arith.constant 0 : i32
    %dma_wait3A_162 = tpu.memref_slice %arg4[%mul3A_154, %dma_wait3A_161] : memref<819200x128xf32, #tpu.memory_space<hbm>> -> memref<128x128xf32, #tpu.memory_space<hbm>>
    %dma_wait3A_163 = tpu.memref_slice %arg8[%dma_wait3A_156] : memref<5x!tpu.dma_semaphore, #tpu.memory_space<semaphore_mem>> -> memref<1x!tpu.dma_semaphore, #tpu.memory_space<semaphore_mem>>
    %dma_wait3A_164 = tpu.memref_squeeze %dma_wait3A_163 : memref<1x!tpu.dma_semaphore, #tpu.memory_space<semaphore_mem>> -> memref<!tpu.dma_semaphore, #tpu.memory_space<semaphore_mem>>
    %dma_wait3A_165 = arith.constant 0 : i32
    %dma_wait3A_166 = tpu.memref_slice %arg4[%mul3A_154, %dma_wait3A_165] : memref<819200x128xf32, #tpu.memory_space<hbm>> -> memref<128x128xf32, #tpu.memory_space<hbm>>
    %dma_wait3A_167 = arith.constant 0 : i32
    %dma_wait3A_168 = arith.constant 0 : i32
    %dma_wait3A_169 = tpu.memref_slice %arg6[%dma_wait3A_155, %dma_wait3A_167, %dma_wait3A_168] : memref<5x128x128xf32, #tpu.memory_space<vmem>> -> memref<1x128x128xf32, #tpu.memory_space<vmem>>
    %dma_wait3A_170 = tpu.memref_squeeze %dma_wait3A_169 : memref<1x128x128xf32, #tpu.memory_space<vmem>> -> memref<128x128xf32, #tpu.memory_space<vmem>>
    tpu.wait_dma2 semaphore(%dma_wait3A_164 : memref<!tpu.dma_semaphore, #tpu.memory_space<semaphore_mem>>) src(%dma_wait3A_170 : memref<128x128xf32, #tpu.memory_space<vmem>>) dst(%dma_wait3A_166 : memref<128x128xf32, #tpu.memory_space<hbm>>)
    %add3A_171 = arith.constant 198 : i32
    %add3A_172 = arith.addi %mul3A_2, %add3A_171 : i32
    %mul3A_173 = arith.constant 128 : i32
    %mul3A_174 = arith.muli %add3A_172, %mul3A_173 : i32
    %dma_wait3A_175 = arith.constant 3 : i32
    %dma_wait3A_176 = arith.constant 3 : i32
    %dma_wait3A_177 = arith.constant 0 : i32
    %dma_wait3A_178 = arith.constant 0 : i32
    %dma_wait3A_179 = tpu.memref_slice %arg6[%dma_wait3A_175, %dma_wait3A_177, %dma_wait3A_178] : memref<5x128x128xf32, #tpu.memory_space<vmem>> -> memref<1x128x128xf32, #tpu.memory_space<vmem>>
    %dma_wait3A_180 = tpu.memref_squeeze %dma_wait3A_179 : memref<1x128x128xf32, #tpu.memory_space<vmem>> -> memref<128x128xf32, #tpu.memory_space<vmem>>
    %dma_wait3A_181 = arith.constant 0 : i32
    %dma_wait3A_182 = tpu.memref_slice %arg4[%mul3A_174, %dma_wait3A_181] : memref<819200x128xf32, #tpu.memory_space<hbm>> -> memref<128x128xf32, #tpu.memory_space<hbm>>
    %dma_wait3A_183 = tpu.memref_slice %arg8[%dma_wait3A_176] : memref<5x!tpu.dma_semaphore, #tpu.memory_space<semaphore_mem>> -> memref<1x!tpu.dma_semaphore, #tpu.memory_space<semaphore_mem>>
    %dma_wait3A_184 = tpu.memref_squeeze %dma_wait3A_183 : memref<1x!tpu.dma_semaphore, #tpu.memory_space<semaphore_mem>> -> memref<!tpu.dma_semaphore, #tpu.memory_space<semaphore_mem>>
    %dma_wait3A_185 = arith.constant 0 : i32
    %dma_wait3A_186 = tpu.memref_slice %arg4[%mul3A_174, %dma_wait3A_185] : memref<819200x128xf32, #tpu.memory_space<hbm>> -> memref<128x128xf32, #tpu.memory_space<hbm>>
    %dma_wait3A_187 = arith.constant 0 : i32
    %dma_wait3A_188 = arith.constant 0 : i32
    %dma_wait3A_189 = tpu.memref_slice %arg6[%dma_wait3A_175, %dma_wait3A_187, %dma_wait3A_188] : memref<5x128x128xf32, #tpu.memory_space<vmem>> -> memref<1x128x128xf32, #tpu.memory_space<vmem>>
    %dma_wait3A_190 = tpu.memref_squeeze %dma_wait3A_189 : memref<1x128x128xf32, #tpu.memory_space<vmem>> -> memref<128x128xf32, #tpu.memory_space<vmem>>
    tpu.wait_dma2 semaphore(%dma_wait3A_184 : memref<!tpu.dma_semaphore, #tpu.memory_space<semaphore_mem>>) src(%dma_wait3A_190 : memref<128x128xf32, #tpu.memory_space<vmem>>) dst(%dma_wait3A_186 : memref<128x128xf32, #tpu.memory_space<hbm>>)
    %add3A_191 = arith.constant 199 : i32
    %add3A_192 = arith.addi %mul3A_2, %add3A_191 : i32
    %mul3A_193 = arith.constant 128 : i32
    %mul3A_194 = arith.muli %add3A_192, %mul3A_193 : i32
    %dma_wait3A_195 = arith.constant 4 : i32
    %dma_wait3A_196 = arith.constant 4 : i32
    %dma_wait3A_197 = arith.constant 0 : i32
    %dma_wait3A_198 = arith.constant 0 : i32
    %dma_wait3A_199 = tpu.memref_slice %arg6[%dma_wait3A_195, %dma_wait3A_197, %dma_wait3A_198] : memref<5x128x128xf32, #tpu.memory_space<vmem>> -> memref<1x128x128xf32, #tpu.memory_space<vmem>>
    %dma_wait3A_200 = tpu.memref_squeeze %dma_wait3A_199 : memref<1x128x128xf32, #tpu.memory_space<vmem>> -> memref<128x128xf32, #tpu.memory_space<vmem>>
    %dma_wait3A_201 = arith.constant 0 : i32
    %dma_wait3A_202 = tpu.memref_slice %arg4[%mul3A_194, %dma_wait3A_201] : memref<819200x128xf32, #tpu.memory_space<hbm>> -> memref<128x128xf32, #tpu.memory_space<hbm>>
    %dma_wait3A_203 = tpu.memref_slice %arg8[%dma_wait3A_196] : memref<5x!tpu.dma_semaphore, #tpu.memory_space<semaphore_mem>> -> memref<1x!tpu.dma_semaphore, #tpu.memory_space<semaphore_mem>>
    %dma_wait3A_204 = tpu.memref_squeeze %dma_wait3A_203 : memref<1x!tpu.dma_semaphore, #tpu.memory_space<semaphore_mem>> -> memref<!tpu.dma_semaphore, #tpu.memory_space<semaphore_mem>>
    %dma_wait3A_205 = arith.constant 0 : i32
    %dma_wait3A_206 = tpu.memref_slice %arg4[%mul3A_194, %dma_wait3A_205] : memref<819200x128xf32, #tpu.memory_space<hbm>> -> memref<128x128xf32, #tpu.memory_space<hbm>>
    %dma_wait3A_207 = arith.constant 0 : i32
    %dma_wait3A_208 = arith.constant 0 : i32
    %dma_wait3A_209 = tpu.memref_slice %arg6[%dma_wait3A_195, %dma_wait3A_207, %dma_wait3A_208] : memref<5x128x128xf32, #tpu.memory_space<vmem>> -> memref<1x128x128xf32, #tpu.memory_space<vmem>>
    %dma_wait3A_210 = tpu.memref_squeeze %dma_wait3A_209 : memref<1x128x128xf32, #tpu.memory_space<vmem>> -> memref<128x128xf32, #tpu.memory_space<vmem>>
    tpu.wait_dma2 semaphore(%dma_wait3A_204 : memref<!tpu.dma_semaphore, #tpu.memory_space<semaphore_mem>>) src(%dma_wait3A_210 : memref<128x128xf32, #tpu.memory_space<vmem>>) dst(%dma_wait3A_206 : memref<128x128xf32, #tpu.memory_space<hbm>>)
    return
  }
}

</mosaic_0001>

<sc_bundles>
// kernel: kernel.3.cloned.1.call-start
scs
__scs_entry_jumppad:
0x0: {  	(pc) =	sbr.rel $0x88, $3  }
0x1: {  	(tag) =	ssettag $0x0;
	lr =	simm.s32 $0x1  }
0x2: {  	[smem:$0x3F9F] =	sst lr;
	_ =	strace $0xD0000000  }
0x3: {  	_ = 	snop  }
0x4: {  	_ = 	snop  }
0x5: {  	_ = 	snop  }
0x6: {  	_ = 	snop  }
0x7: {  	_ = 	snop  }
__scs_overlays_trampoline_lowered:
0x8: {  	[smem:$0x3FAE] =	sst s0  }
0x9: {  	[smem:$0x3FAF] =	sst s1  }
0xa: {  	[smem:$0x3FB0] =	sst s2  }
0xb: {  	[smem:$0x3FB1] =	sst s3  }
0xc: {  	[smem:$0x3FB2] =	sst s4  }
0xd: {  	[smem:$0x3FB3] =	sst s5  }
0xe: {  	[smem:$0x3FB4] =	sst s6  }
0xf: {  	[smem:$0x3FB5] =	sst s7  }
0x10: {  	[smem:$0x3FB6] =	sst s8  }
0x11: {  	[smem:$0x3FB7] =	sst s9;
	s0 =	simm.s32 @!p0 $0x0  }
0x12: {  	s1 =	sld [smem:$0x3F9D];
	s0 =	simm.s32 @p0 $0x1  }
0x13: {  	[smem:$0x3FB8] =	sst s0;
	s0 =	simm.s32 @!p1 $0x0  }
0x14: {  	s2 =	sld [smem:$0x3F9C];
	s0 =	simm.s32 @p1 $0x1  }
0x15: {  	[smem:$0x3FB9] =	sst s0;
	s0 =	simm.s32 @!p2 $0x0  }
0x16: {  	s3 =	sld [smem:$0x3FDB];
	s0 =	simm.s32 @p2 $0x1  }
0x17: {  	s4 =	simm.s32 $0x1BF5;
	[smem:$0x3FBB] =	sst s0  }
0x18: {  	s0 =	sld [smem:$0x3F9E];
	_ =	swait.ge [sflag:s4], $0x0  }
0x19: {  	s7 =	sld [smem:$0x3F9F]  }
0x1a: {  	s8 =	sadd.s32 $0xFFFFE003, lr  }
0x1b: {  	s9 =	sadd.s32 $0xFFFFFEF7, lr;
	s5 =	simm.s32 $0xFFFFFFFF;
	p2 =	slt.u32 s8, $0xFFFFF086  }
0x1c: {  	p1 =	slt.u32 s9, $0xF7A;
	s5 =	simm.s32 @!p2 $0x0  }
0x1d: {  	s5 =	simm.s32 @p1 $0x1;
	p0 =	seq.s32 s7, s2  }
0x1e: {  	s7 =	smul.u32 @!p0 $0xF7A, s2;
	p2 =	seq.s32 @!p0 s5, $0x0  }
0x1f: {  	s9 =	smul.u32 $0xF7A, s1;
	s8 =	simm.s32 @!p0 $0x1BF5;
	p2 =	por !p2, p0  }
0x20: {  	[sflag:s8] =	ssyncset.s32 @!p0 $0xFFFFF086;
	s6 =	sadd.s32 @!p0 s3, s7;
	s7 =	simm.s32 @!p0 $0x108  }
0x21: {  	s3 =	sadd.s32 s3, s9;
	s6 =	sadd.s32 @!p0 $0x88, s6;
	s7 =	simm.s32 @p2 $0x1082  }
0x22: {  	[simem:s7], [sflag:s8] =	dma.local @!p0 [hbm:s6], $0xF7A  }
0x23: {  	s9 =	sor.u32 $0xD0000000, s2;
	s6 =	simm.s32 $0x108;
	_ =	swait.ge @!p0 [sflag:s8], $0x0  }
0x24: {  	s3 =	sadd.s32 $0x88, s3;
	s6 =	simm.s32 @!p1 $0x1082;
	[sflag:s4] =	ssyncset.s32 $0xFFFFF086  }
0x25: {  	[simem:s6], [sflag:s4] =	dma.local [hbm:s3], $0xF7A  }
0x26: {  	[smem:$0x3F9F] =	sst s1;
	(tag) =	ssettag s2;
	_ =	strace s9  }
0x27: {  	s1 =	sld [smem:$0x3FAF]  }
0x28: {  	s2 =	sld [smem:$0x3FB0]  }
0x29: {  	s4 =	sld [smem:$0x3FB2]  }
0x2a: {  	p0 =	seq.s32 s5, $0x0;
	s5 =	sld [smem:$0x3FB3]  }
0x2b: {  	s6 =	sld [smem:$0x3FB4]  }
0x2c: {  	s7 =	sld [smem:$0x3FB5]  }
0x2d: {  	s3 =	simm.s32 $0x108;
	s8 =	sld [smem:$0x3FB6]  }
0x2e: {  	s3 =	simm.s32 @!p0 $0x1082;
	s9 =	sld [smem:$0x3FB7]  }
0x2f: {  	lr =	sadd.s32 s0, s3;
	s0 =	sld [smem:$0x3FAE]  }
0x30: {  	s3 =	sld [smem:$0x3FB1]  }
0x31: {  	[smem:$0x3FBA] =	sst s10  }
0x32: {  	s10 =	sld [smem:$0x3FB8];
	_ =	sdelay $0x3  }
0x33: {  	p0 =	seq.s32 s10, $0x1;
	s10 =	sld [smem:$0x3FBA];
	_ =	sdelay $0x3  }
0x34: {  	[smem:$0x3FBA] =	sst s10  }
0x35: {  	s10 =	sld [smem:$0x3FB9];
	_ =	sdelay $0x3  }
0x36: {  	p1 =	seq.s32 s10, $0x1;
	s10 =	sld [smem:$0x3FBA];
	_ =	sdelay $0x3  }
0x37: {  	[smem:$0x3FBA] =	sst s10  }
0x38: {  	s10 =	sld [smem:$0x3FBB]  }
0x39: {  	_ = 	snop;
	(pc) =	sbr.ind lr, $3  }
0x3a: {  	_ = 	snop  }
0x3b: {  	_ = 	snop  }
0x3c: {  	p2 =	seq.s32 s10, $0x1;
	s10 =	sld [smem:$0x3FBA]  }
0x3d: {  	_ =	shalt  }
0x3e: {  	_ =	shalt  }
0x3f: {  	_ =	shalt  }
0x40: {  	_ =	shalt  }
0x41: {  	_ =	shalt  }
0x42: {  	_ =	shalt  }
0x43: {  	_ =	shalt  }
0x44: {  	_ =	shalt  }
0x45: {  	_ =	shalt  }
0x46: {  	_ =	shalt  }
0x47: {  	_ =	shalt  }
0x48: {  	_ =	shalt  }
0x49: {  	_ =	shalt  }
0x4a: {  	_ =	shalt  }
0x4b: {  	_ =	shalt  }
0x4c: {  	_ =	shalt  }
0x4d: {  	_ =	shalt  }
0x4e: {  	_ =	shalt  }
0x4f: {  	_ =	shalt  }
0x50: {  	_ =	shalt  }
0x51: {  	_ =	shalt  }
0x52: {  	_ =	shalt  }
0x53: {  	_ =	shalt  }
0x54: {  	_ =	shalt  }
0x55: {  	_ =	shalt  }
0x56: {  	_ =	shalt  }
0x57: {  	_ =	shalt  }
0x58: {  	_ =	shalt  }
0x59: {  	_ =	shalt  }
0x5a: {  	_ =	shalt  }
0x5b: {  	_ =	shalt  }
0x5c: {  	_ =	shalt  }
0x5d: {  	_ =	shalt  }
0x5e: {  	_ =	shalt  }
0x5f: {  	_ =	shalt  }
0x60: {  	_ =	shalt  }
0x61: {  	_ =	shalt  }
0x62: {  	_ =	shalt  }
0x63: {  	_ =	shalt  }
0x64: {  	_ =	shalt  }
0x65: {  	_ =	shalt  }
0x66: {  	_ =	shalt  }
0x67: {  	_ =	shalt  }
0x68: {  	_ =	shalt  }
0x69: {  	_ =	shalt  }
0x6a: {  	_ =	shalt  }
0x6b: {  	_ =	shalt  }
0x6c: {  	_ =	shalt  }
0x6d: {  	_ =	shalt  }
0x6e: {  	_ =	shalt  }
0x6f: {  	_ =	shalt  }
0x70: {  	_ =	shalt  }
0x71: {  	_ =	shalt  }
0x72: {  	_ =	shalt  }
0x73: {  	_ =	shalt  }
0x74: {  	_ =	shalt  }
0x75: {  	_ =	shalt  }
0x76: {  	_ =	shalt  }
0x77: {  	_ =	shalt  }
0x78: {  	_ =	shalt  }
0x79: {  	_ =	shalt  }
0x7a: {  	_ =	shalt  }
0x7b: {  	_ =	shalt  }
0x7c: {  	_ =	shalt  }
0x7d: {  	_ =	shalt  }
0x7e: {  	_ =	shalt  }
0x7f: {  	_ =	shalt  }
0x80: {  	_ =	shalt  }
0x81: {  	_ =	shalt  }
0x82: {  	_ =	shalt  }
0x83: {  	_ =	shalt  }
0x84: {  	_ =	shalt  }
0x85: {  	_ =	shalt  }
0x86: {  	_ =	shalt  }
0x87: {  	_ =	shalt  }
.Lfunc_end0:
.L_simem_size_0:
called_computation.1_lowered:
.L_overlay_start_0:
0x88: {  	s2 =	sld [smem:$0x3FD9]  }
0x89: {  	s3 =	sld [smem:$0x3FFE];
	_ =	sdelay $0x1  }
0x8a: {  	s1 =	srdreg.scid  }
0x8b: {  	s0 =	sand.u32 $0x1, s1  }
0x8c: {  	s17 =	sshll.u32 s0, $0xA;
	s2 =	sadd.s32 s3, s2  }
0x8d: {  	s2 =	sadd.s32 s2, s17  }
0x8e: {  	[smem:$0x3FC6] =	sst s2  }
0x8f: {  	_ = 	snop  }
0x90: {  	s2 =	sld [smem:$0x3FD0];
	(tm) =	ssettm $0x1  }
0x91: {  	s18 =	sld [smem:$0x3FFB];
	_ =	sdelay $0x3  }
0x92: {  	_ =	strace s18  }
0x93: {  	s3 =	sld [smem:$0x3FFC];
	_ =	sdelay $0x3  }
0x94: {  	_ =	strace s3  }
0x95: {  	s3 =	sld [smem:$0x3FFD];
	_ =	sdelay $0x3  }
0x96: {  	_ =	strace s3  }
0x97: {  	_ =	strace $0x8FFFFFFF  }
0x98: {  	s19 =	sld [smem:$0x3FDB];
	_ =	sdelay $0x1  }
0x99: {  	s4 =	simm.s32 $_scs_section_size  }
0x9a: {  	s5 =	simm.s32 $_size__tile_overlayer_lowered;
	s6 =	simm.s32 $_tile_overlayer_lowered  }
0x9b: {  	s22 =	simm.s32 $0x1BFF;
	s21 =	sshll.u32 s6, $0x1;
	s3 =	sadd.s32 s4, s19  }
0x9c: {  	s7 =	simm.s32 $0x0;
	s20 =	sshll.u32 s5, $0x1;
	s5 =	sadd.s32 s21, s3  }
0x9d: {  	[timem:s7], [sflag:s22] =	dma.local [hbm:s5], s20  }
0x9e: {  	_ =	swait.ge [sflag:s22], s20  }
0x9f: {  	s4 =	ssub.s32 $0x0, s20;
	[sflag:s22] =	ssyncset.done $0x0  }
0xa0: {  	[sflag:s22] =	ssyncadd.s32 s4;
	_ =	sdelay $0x1  }
0xa1: {  	s23 =	simm.s32 $0x1B8B  }
0xa2: {  	_ =	swait.ge [sflag:s23], $0x1  }
0xa3: {  	[sflag:s23] =	ssyncset.done $0x0  }
0xa4: {  	s25 =	simm.s32 $0x1B8E;
	s24 =	sld [smem:$0x3FFE];
	[sflag:s23] =	ssyncadd.s32 $0xFFFFFFFF  }
0xa5: {  	s26 =	simm.s32 $execute0_lowered;
	[smem:$0x3FD2] =	sst s25  }
0xa6: {  	s5 =	sshll.u32 s26, $0x1;
	_ =	strace $0x80000046;
	[dreg:$0x1] =	wrdreg $0xFFFFFFFF  }
0xa7: {  	s28 =	simm.s32 $_size_execute0_lowered;
	s3 =	sadd.s32 s3, s5;
	[dreg:$0x0] =	wrdreg $0x0  }
0xa8: {  	s5 =	sshll.u32 s28, $0x1;
	[dreg:$0x2] =	wrdreg s3  }
0xa9: {  	[dreg:$0x3] =	wrdreg s5  }
0xaa: {  	[dreg:$0x4] =	wrdreg $0xC0  }
0xab: {  	_ =	task [dreg:s7], $0x5FFFF  }
0xac: {  	[dreg:$0x1] =	wrdreg $0xFFFFFFFF  }
0xad: {  	[dreg:$0x0] =	wrdreg $0x60  }
0xae: {  	[dreg:$0x2] =	wrdreg s2  }
0xaf: {  	[dreg:$0x3] =	wrdreg s24  }
0xb0: {  	[dreg:$0x4] =	wrdreg $0x9  }
0xb1: {  	_ =	task.clear_ibuf [dreg:s7], $0x5FFFF;
	_ =	strace $0x90000046  }
0xb2: {  	s29 =	simm.s32 $0x9;
	_ =	strace $0x80000048  }
0xb3: {  	_ =	swait.ge [sflag:s29], $0x1  }
0xb4: {  	[sflag:s29] =	ssyncadd.s32 $0xFFFFFFFF  }
0xb5: {  	_ =	strace $0x90000048  }
0xb6: {  	_ =	sfence  }
0xb7: {  	s30 =	sld [smem:$0x0];
	_ =	sdelay $0x2  }
0xb8: {  	s31 =	sshll.u32 s1, $0xD;
	s1 =	sshrl.u32 s1, $0x2  }
0xb9: {  	s3 =	sand.u32 $0x4000, s31;
	s1 =	sadd.s32 s1, s30  }
0xba: {  	s0 =	sor.u32 s3, s0;
	s1 =	sshll.u32 s1, $0x11  }
0xbb: {  	s0 =	sor.u32 s1, s0  }
0xbc: {  	s0 =	sadd.s32 $0x8F2B, s0  }
0xbd: {  	[sflag:s0] =	ssyncadd.remote.s32 $0x1  }
0xbe: {  	_ =	sfence.sel $0xFFFF  }
0xbf: {  	[dreg:$0x0] =	wrdreg $0xFFFFFFFF;
	(pc) =	sbr.abs _section_cstart, $3  }
0xc0: {  	[dreg:$0x1] =	wrdreg $0xFFFFFFFF  }
0xc1: {  	_ =	task.clear_ibuf [dreg:s7], $0x2FFFF;
	_ =	strace $0x9FFFFFFF  }
0xc2: {  	(tm) =	ssettm $0x7FFFFFFF  }
0xc3: {  	_ =	shalt  }
tec
execute0_lowered:
.L_overlay_start_1:
0x0: {  	(tag) =	ssettag $0x1  }
0x1: {  	s0 =	rddreg [dreg:$0x0]  }
0x2: {  	s1 =	rddreg [dreg:$0x1];
	s2 =	simm.s32 $0x0;
	s3 =	srdreg.scid  }
0x3: {  	s10 =	stileid.u32;
	s12 =	simm.s32 $0x80;
	s13 =	simm.s32 $0x12400  }
0x4: {  	s14 =	simm.s32 $0x1;
	s30 =	simm.s32 $0x6400;
	s15 =	simm.s32 $0x16400  }
0x5: {  	s31 =	simm.s32 $0xA400;
	s5 =	sand.u32 $0x1, s3;
	s21 =	sshll.u32 s10, $0x1  }
0x6: {  	[smem:$0x7FF] =	sst s2;
	s24 =	smul.u32 $0xC8000, s10;
	s6 =	sor.u32 s5, s21  }
0x7: {  	s3 =	sadd.s32 $0xF42E00, s1;
	s4 =	sadd.s32 $0xA00, s1;
	s8 =	smul.u32 $0x320000, s6  }
0x8: {  	_ =	strace $0x80000047;
	s7 =	ssub.s32 $0x2, s5;
	s9 =	smul.u32 $0xC8, s6  }
0x9: {  	[dreg:$0x3] =	wrdreg s30;
	s22 =	sshrl.u32 s7, $0x1;
	s6 =	smul.u32 $0xC80, s6  }
0xa: {  	s26 =	smul.u32 $0x64000, s5;
	[dreg:$0x5] =	wrdreg s31;
	s1 =	ssub.s32 s7, s22  }
0xb: {  	s23 =	sshrl.u32 s8, $0x3;
	[dreg:$0x4] =	wrdreg s9;
	s0 =	sadd.s32 s0, s6  }
0xc: {  	s1 =	smax.u32 s1, $0x1;
	s7 =	sadd.s32 s4, s23;
	[dreg:$0x6] =	wrdreg s0  }
0xd: {  	s16 =	simm.s32 $0x2;
	[dreg:$0xa] =	wrdreg s1;
	s25 =	sadd.s32 $0x62800, s7  }
0xe: {  	s10 =	sadd.s32 s26, s24;
	s28 =	sadd.s32 $0x63000, s7;
	[dreg:$0x7] =	wrdreg s25  }
0xf: {  	s24 =	simm.s32 $0x9;
	s29 =	sadd.s32 $0x63800, s7;
	[dreg:$0x8] =	wrdreg s28  }
0x10: {  	s26 =	simm.s32 $0x0;
	[dreg:$0x9] =	wrdreg s29;
	s25 =	simm.s32 $0xA  }
.LBB2_1:
0x11: {  	s0 =	rddreg [dreg:$0x6];
	s18 =	simm.s32 $0xB  }
0x12: {  	[tilespmem:s2], [sflag:$0xB] =	stream.linear.gather [hbm4b:s0+s2], $0x6400, $0x38;
	[tilespmem:$0x1A400] =	vst v63  }
0x13: {  	p1 =	por $0x0, $0x0;
	_ =	swait.ge [sflag:s18], $0x6400  }
0x14: {  	p0 =	por p1, p1;
	[sflag:s18] =	ssyncset.done $0x0  }
0x15: {  	s0 =	simm.s32 @p0 $0x6;
	[sflag:s18] =	ssyncadd.s32 $0xFFFF9C00  }
0x16: {  	s1 =	sadd.s32 @p1 $0x1FFFE800, s10;
	_ =	swait.ge @p0 [sflag:s0], $0x4000  }
0x17: {  	s5 =	simm.s32 @p0 $0x6400;
	s6 =	simm.s32 @p0 $0x3;
	[sflag:s0] =	ssyncset.done @p0 $0x0  }
0x18: {  	s7 =	simm.s32 @p0 $0x80;
	[sflag:s0] =	ssyncadd.s32 @p0 $0xFFFFC000;
	s0 =	simm.s32 @p0 $0x0  }
0x19: {  	[tilespmem:s5], [sflag:$0x1] =	stream.indirect.gather @p0 [hbm4b:s3+s7], $0x80, s0, s7, $0xb8;
	[tilespmem:$0x1A400] =	vst v63  }
0x1a: {  	s0 =	sand.u32 @p1 $0x1FFFF800, s1;
	_ =	swait.ge @p0 [sflag:s6], $0x4000  }
0x1b: {  	s1 =	simm.s32 @p0 $0x7;
	s5 =	simm.s32 @p0 $0x0;
	[sflag:s6] =	ssyncset.done @p0 $0x0  }
0x1c: {  	s0 =	sadd.s32 @p1 s4, s0;
	[sflag:s6] =	ssyncadd.s32 @p0 $0xFFFFC000;
	s6 =	simm.s32 @p0 $0xE400  }
0x1d: {  	[hbm4b:s0+s5] =	stream.linear.scatter @p0 [tilespmem:s6], [sflag:$0x8], $0x4000, $0x38;
	[tilespmem:$0x1A400] =	vst v63  }
0x1e: {  	_ =	swait.ge @p0 [sflag:s1], $0x4000  }
0x1f: {  	s8 =	simm.s32 @p0 $0x80;
	s9 =	simm.s32 @p0 $0x4;
	[sflag:s1] =	ssyncset.done @p0 $0x0  }
0x20: {  	s0 =	sadd.s32 @p1 $0x1FFFF000, s10;
	[sflag:s1] =	ssyncadd.s32 @p0 $0xFFFFC000;
	s1 =	simm.s32 @p0 $0xA400  }
0x21: {  	[tilespmem:s1], [sflag:$0x2] =	stream.indirect.gather @p0 [hbm4b:s3+s7], $0x80, s8, s7, $0xb8;
	[tilespmem:$0x1A400] =	vst v63  }
0x22: {  	s0 =	sand.u32 @p1 $0x1FFFF800, s0;
	_ =	swait.ge @p0 [sflag:s9], $0x4000  }
0x23: {  	s0 =	sadd.s32 @p1 s4, s0;
	[sflag:s9] =	ssyncset.done @p0 $0x0  }
0x24: {  	s1 =	simm.s32 @p0 $0x12400;
	s8 =	simm.s32 @p0 $0x8;
	[sflag:s9] =	ssyncadd.s32 @p0 $0xFFFFC000  }
0x25: {  	[hbm4b:s0+s5] =	stream.linear.scatter @p0 [tilespmem:s1], [sflag:$0x9], $0x4000, $0x38;
	[tilespmem:$0x1A400] =	vst v63  }
0x26: {  	_ =	swait.ge @p0 [sflag:s8], $0x4000  }
0x27: {  	s0 =	sadd.s32 @p1 $0x1FFFF800, s10;
	[sflag:s8] =	ssyncset.done @p0 $0x0  }
0x28: {  	s1 =	simm.s32 @p0 $0x100;
	[sflag:s8] =	ssyncadd.s32 @p0 $0xFFFFC000;
	s8 =	simm.s32 @p0 $0x5  }
0x29: {  	[tilespmem:s6], [sflag:$0x3] =	stream.indirect.gather @p0 [hbm4b:s3+s7], $0x80, s1, s7, $0xb8;
	[tilespmem:$0x1A400] =	vst v63  }
0x2a: {  	s0 =	sand.u32 @p1 $0x1FFFF800, s0;
	_ =	swait.ge @p0 [sflag:s8], $0x4000  }
0x2b: {  	s0 =	sadd.s32 @p1 s4, s0;
	[sflag:s8] =	ssyncset.done @p0 $0x0  }
0x2c: {  	s1 =	simm.s32 @p0 $0x16400;
	s6 =	simm.s32 @p0 $0x9;
	[sflag:s8] =	ssyncadd.s32 @p0 $0xFFFFC000  }
0x2d: {  	[hbm4b:s0+s5] =	stream.linear.scatter @p0 [tilespmem:s1], [sflag:$0xA], $0x4000, $0x38;
	[tilespmem:$0x1A400] =	vst v63  }
0x2e: {  	s28 =	sadd.s32 $0x2800, s10;
	p2 =	por $0x1, $0x1;
	_ =	swait.ge @p0 [sflag:s6], $0x4000  }
0x2f: {  	s0 =	simm.s32 $0x0;
	s1 =	simm.s32 @!p0 $0x6400;
	[sflag:s6] =	ssyncset.done @p0 $0x0  }
0x30: {  	s5 =	simm.s32 @!p0 $0x80;
	[sflag:s6] =	ssyncadd.s32 @p0 $0xFFFFC000;
	s6 =	simm.s32 @!p0 $0x0  }
0x31: {  	[tilespmem:s1], [sflag:$0x1] =	stream.indirect.gather @!p0 [hbm4b:s3+s5], $0x80, s6, s5, $0xb8;
	[tilespmem:$0x1A400] =	vst v63  }
0x32: {  	s21 =	sadd.s32 s10, s4;
	s0 =	simm.s32 @!p1 $0x0;
	s1 =	simm.s32 @!p0 $0xA400  }
0x33: {  	[tilespmem:s1], [sflag:$0x2] =	stream.indirect.gather @!p0 [hbm4b:s3+s5], $0x80, s5, s5, $0xb8;
	[tilespmem:$0x1A400] =	vst v63  }
0x34: {  	s0 =	sshra.s32 s0, $0x2;
	s6 =	simm.s32 @!p0 $0xE400;
	s1 =	simm.s32 @!p0 $0x100  }
0x35: {  	[tilespmem:s6], [sflag:$0x3] =	stream.indirect.gather @!p0 [hbm4b:s3+s5], $0x80, s1, s5, $0xb8;
	[tilespmem:$0x1A400] =	vst v63  }
0x36: {  	s29 =	simm.s32 $0xA00;
	s31 =	simm.s32 $0x6;
	s19 =	sadd.s32 $0x180, s0  }
0x37: {  	[tilespmem:s13], [sflag:$0x4] =	stream.indirect.gather [hbm4b:s3+s12], $0x80, s19, s12, $0xb8;
	[tilespmem:$0x1A400] =	vst v63  }
0x38: {  	s18 =	simm.s32 $0x1400;
	p1 =	por $0x1, $0x1;
	_ =	swait.ge [sflag:s14], $0x4000  }
0x39: {  	s7 =	sadd.s32 @p1 $0x1FFFF800, s28;
	s1 =	sadd.s32 @p1 $0x1FFFE800, s28;
	[sflag:s14] =	ssyncset.done $0x0  }
0x3a: {  	s6 =	simm.s32 @!p2 $0xA;
	s20 =	rddreg [dreg:$0x3];
	[sflag:s14] =	ssyncadd.s32 $0xFFFFC000  }
0x3b: {  	[hbm4b:s21+s2] =	stream.linear.scatter [tilespmem:s20], [sflag:$0x6], $0x4000, $0x38;
	[tilespmem:$0x1A400] =	vst v63  }
0x3c: {  	s0 =	sadd.s32 $0x200, s0;
	s1 =	sand.u32 @p1 $0x1FFFF800, s1;
	_ =	swait.ge @!p2 [sflag:s6], $0x4000  }
0x3d: {  	s5 =	sadd.s32 @p1 s4, s1;
	s1 =	sadd.s32 @p1 $0x1FFFF000, s28;
	[sflag:s6] =	ssyncset.done @!p2 $0x0  }
0x3e: {  	[sflag:s6] =	ssyncadd.s32 @!p2 $0xFFFFC000;
	s6 =	sand.u32 @p1 $0x1FFFF800, s7;
	s7 =	simm.s32 $0xA00  }
0x3f: {  	[tilespmem:s15], [sflag:$0x5] =	stream.indirect.gather [hbm4b:s3+s12], $0x80, s0, s12, $0xb8;
	[tilespmem:$0x1A400] =	vst v63  }
0x40: {  	s0 =	sand.u32 @p1 $0x1FFFF800, s1;
	s7 =	simm.s32 @!p1 $0x0;
	_ =	swait.ge [sflag:s16], $0x4000  }
0x41: {  	s1 =	sadd.s32 @p1 s4, s0;
	s0 =	sadd.s32 @p1 s4, s6;
	s6 =	simm.s32 $0x1  }
0x42: {  	s30 =	sshra.s32 s7, $0x2;
	s22 =	rddreg [dreg:$0x4];
	s6 =	simm.s32 @!p0 $0x1  }
0x43: {  	[sflag:s16] =	ssyncset.done $0x0;
	p0 =	por p1, p1;
	s6 =	sadd.s32 s22, s6  }
0x44: {  	s9 =	rddreg [dreg:$0x5];
	[sflag:s16] =	ssyncadd.s32 $0xFFFFC000;
	s23 =	sshll.u32 s6, $0xB  }
0x45: {  	s8 =	simm.s32 @p0 $0x6;
	s6 =	sadd.s32 $0x2800, s28;
	s7 =	sand.u32 $0x1FFFF800, s23  }
.LBB2_2:
0x46: {  	s11 =	sadd.s32 s4, s7  }
0x47: {  	[hbm4b:s11+s2] =	stream.linear.scatter [tilespmem:s9], [sflag:$0x7], $0x4000, $0x38;
	[tilespmem:$0x1A400] =	vst v63  }
0x48: {  	p1 =	sne.s32 s18, $0x0;
	_ =	swait.ge @p0 [sflag:s8], $0x4000  }
0x49: {  	s17 =	simm.s32 @p0 $0x6400;
	s19 =	simm.s32 @p0 $0x3;
	[sflag:s8] =	ssyncset.done @p0 $0x0  }
0x4a: {  	s20 =	simm.s32 @p0 $0x80;
	[sflag:s8] =	ssyncadd.s32 @p0 $0xFFFFC000;
	s8 =	sshra.s32 @p0 s29, $0x2  }
0x4b: {  	[tilespmem:s17], [sflag:$0x1] =	stream.indirect.gather @p0 [hbm4b:s3+s20], $0x80, s8, s20, $0xb8;
	[tilespmem:$0x1A400] =	vst v63  }
0x4c: {  	s7 =	smov.u32 s18;
	s22 =	simm.s32 @p0 $0xE400;
	_ =	swait.ge @p0 [sflag:s19], $0x4000  }
0x4d: {  	s23 =	simm.s32 @p0 $0x4;
	s9 =	sadd.s32 @p1 $0x1FFFE800, s6;
	[sflag:s19] =	ssyncset.done @p0 $0x0  }
0x4e: {  	s11 =	simm.s32 @p0 $0x7;
	[sflag:s19] =	ssyncadd.s32 @p0 $0xFFFFC000;
	s19 =	simm.s32 @p0 $0x0  }
0x4f: {  	[hbm4b:s5+s19] =	stream.linear.scatter @p0 [tilespmem:s22], [sflag:$0x8], $0x4000, $0x38;
	[tilespmem:$0x1A400] =	vst v63  }
0x50: {  	s17 =	sadd.s32 @p0 $0x80, s8;
	s21 =	sadd.s32 @p0 $0x100, s8;
	_ =	swait.ge @p0 [sflag:s11], $0x4000  }
0x51: {  	s8 =	sadd.s32 @p1 $0x1FFFF800, s6;
	s5 =	sadd.s32 @p1 $0x1FFFF000, s6;
	[sflag:s11] =	ssyncset.done @p0 $0x0  }
0x52: {  	s5 =	sand.u32 @p1 $0x1FFFF800, s5;
	[sflag:s11] =	ssyncadd.s32 @p0 $0xFFFFC000;
	s11 =	simm.s32 @p0 $0xA400  }
0x53: {  	[tilespmem:s11], [sflag:$0x2] =	stream.indirect.gather @p0 [hbm4b:s3+s20], $0x80, s17, s20, $0xb8;
	[tilespmem:$0x1A400] =	vst v63  }
0x54: {  	s8 =	sand.u32 @p1 $0x1FFFF800, s8;
	s11 =	sadd.s32 @p1 s4, s5;
	_ =	swait.ge @p0 [sflag:s23], $0x4000  }
0x55: {  	s17 =	sadd.s32 @p1 s4, s8;
	s5 =	smov.u32 s7;
	[sflag:s23] =	ssyncset.done @p0 $0x0  }
0x56: {  	s8 =	simm.s32 @p0 $0x12400;
	[sflag:s23] =	ssyncadd.s32 @p0 $0xFFFFC000;
	s23 =	simm.s32 @p0 $0x8  }
0x57: {  	[hbm4b:s1+s19] =	stream.linear.scatter @p0 [tilespmem:s8], [sflag:$0x9], $0x4000, $0x38;
	[tilespmem:$0x1A400] =	vst v63  }
0x58: {  	s9 =	sand.u32 @p1 $0x1FFFF800, s9;
	s5 =	simm.s32 @!p1 $0x0;
	_ =	swait.ge @p0 [sflag:s23], $0x4000  }
0x59: {  	s9 =	sadd.s32 @p1 s4, s9;
	s8 =	sshra.s32 s5, $0x2;
	[sflag:s23] =	ssyncset.done @p0 $0x0  }
0x5a: {  	s5 =	smov.u32 s9;
	s9 =	simm.s32 @p0 $0x5;
	[sflag:s23] =	ssyncadd.s32 @p0 $0xFFFFC000  }
0x5b: {  	[tilespmem:s22], [sflag:$0x3] =	stream.indirect.gather @p0 [hbm4b:s3+s20], $0x80, s21, s20, $0xb8;
	[tilespmem:$0x1A400] =	vst v63  }
0x5c: {  	_ =	swait.ge @p0 [sflag:s9], $0x4000  }
0x5d: {  	s1 =	smov.u32 s11;
	[sflag:s9] =	ssyncset.done @p0 $0x0  }
0x5e: {  	s11 =	simm.s32 @p0 $0x9;
	[sflag:s9] =	ssyncadd.s32 @p0 $0xFFFFC000;
	s9 =	simm.s32 @p0 $0x16400  }
0x5f: {  	[hbm4b:s0+s19] =	stream.linear.scatter @p0 [tilespmem:s9], [sflag:$0xA], $0x4000, $0x38;
	[tilespmem:$0x1A400] =	vst v63  }
0x60: {  	_ =	swait.ge @p0 [sflag:s11], $0x4000  }
0x61: {  	s0 =	smov.u32 s17;
	s9 =	simm.s32 @!p0 $0x6400;
	[sflag:s11] =	ssyncset.done @p0 $0x0  }
0x62: {  	s17 =	simm.s32 @!p0 $0x0;
	[sflag:s11] =	ssyncadd.s32 @p0 $0xFFFFC000;
	s11 =	simm.s32 @!p0 $0x80  }
0x63: {  	[tilespmem:s9], [sflag:$0x1] =	stream.indirect.gather @!p0 [hbm4b:s3+s11], $0x80, s17, s11, $0xb8;
	[tilespmem:$0x1A400] =	vst v63  }
0x64: {  	s9 =	simm.s32 @!p0 $0xA400  }
0x65: {  	[tilespmem:s9], [sflag:$0x2] =	stream.indirect.gather @!p0 [hbm4b:s3+s11], $0x80, s11, s11, $0xb8;
	[tilespmem:$0x1A400] =	vst v63  }
0x66: {  	s17 =	simm.s32 @!p0 $0xE400;
	s9 =	simm.s32 @!p0 $0x100  }
0x67: {  	[tilespmem:s17], [sflag:$0x3] =	stream.indirect.gather @!p0 [hbm4b:s3+s11], $0x80, s9, s11, $0xb8;
	[tilespmem:$0x1A400] =	vst v63  }
0x68: {  	s19 =	sadd.s32 $0x180, s30  }
0x69: {  	[tilespmem:s13], [sflag:$0x4] =	stream.indirect.gather [hbm4b:s3+s12], $0x80, s19, s12, $0xb8;
	[tilespmem:$0x1A400] =	vst v63  }
0x6a: {  	s18 =	sadd.s32 $0xA00, s18;
	_ =	swait.ge [sflag:s14], $0x4000  }
0x6b: {  	p3 =	seq.s32 s29, $0x0;
	s21 =	sadd.s32 s28, s4;
	[sflag:s14] =	ssyncset.done $0x0  }
0x6c: {  	s9 =	simm.s32 @!p3 $0xA;
	s20 =	rddreg [dreg:$0x3];
	[sflag:s14] =	ssyncadd.s32 $0xFFFFC000  }
0x6d: {  	[hbm4b:s21+s2] =	stream.linear.scatter [tilespmem:s20], [sflag:$0x6], $0x4000, $0x38;
	[tilespmem:$0x1A400] =	vst v63  }
0x6e: {  	p2 =	sne.s32 s18, $0x19000;
	_ =	swait.ge @!p3 [sflag:s9], $0x4000  }
0x6f: {  	s29 =	smov.u32 s7;
	s28 =	smov.u32 s6;
	[sflag:s9] =	ssyncset.done @!p3 $0x0  }
0x70: {  	s22 =	sadd.s32 $0x200, s30;
	s30 =	smov.u32 s8;
	[sflag:s9] =	ssyncadd.s32 @!p3 $0xFFFFC000  }
0x71: {  	[tilespmem:s15], [sflag:$0x5] =	stream.indirect.gather [hbm4b:s3+s12], $0x80, s22, s12, $0xb8;
	[tilespmem:$0x1A400] =	vst v63  }
.Ltmp0:
0x72: {  	s8 =	smov.u32 s31;
	_ =	swait.ge [sflag:s16], $0x4000;
	(pc) =	sbr.rel @p2 .LBB2_2-.Ltmp0, $4  }
0x73: {  	s6 =	sadd.s32 $0x2800, s6;
	s8 =	simm.s32 @!p0 $0x1;
	s23 =	rddreg [dreg:$0x4]  }
0x74: {  	s31 =	sadd.s32 $0x5, s31;
	p0 =	por p1, p1;
	s7 =	sadd.s32 s23, s8  }
0x75: {  	[sflag:s16] =	ssyncset.done $0x0;
	s9 =	rddreg [dreg:$0x5];
	s7 =	sshll.u32 s7, $0xB  }
0x76: {  	[sflag:s16] =	ssyncadd.s32 $0xFFFFC000;
	s8 =	simm.s32 @p0 $0x6;
	s7 =	sand.u32 $0x1FFFF800, s7  }
0x77: {  	s6 =	sadd.s32 s4, s7  }
0x78: {  	[hbm4b:s6+s2] =	stream.linear.scatter [tilespmem:s9], [sflag:$0x7], $0x4000, $0x38;
	[tilespmem:$0x1A400] =	vst v63  }
0x79: {  	_ =	swait.ge @p0 [sflag:s8], $0x4000  }
0x7a: {  	s7 =	simm.s32 @p0 $0x3;
	s6 =	simm.s32 @p0 $0x6400;
	[sflag:s8] =	ssyncset.done @p0 $0x0  }
0x7b: {  	s9 =	simm.s32 @p0 $0x80;
	[sflag:s8] =	ssyncadd.s32 @p0 $0xFFFFC000;
	s8 =	sshra.s32 @p0 s29, $0x2  }
0x7c: {  	[tilespmem:s6], [sflag:$0x1] =	stream.indirect.gather @p0 [hbm4b:s3+s9], $0x80, s8, s9, $0xb8;
	[tilespmem:$0x1A400] =	vst v63  }
0x7d: {  	_ =	swait.ge @p0 [sflag:s7], $0x4000  }
0x7e: {  	s11 =	simm.s32 @p0 $0xE400;
	[sflag:s7] =	ssyncset.done @p0 $0x0  }
0x7f: {  	s6 =	simm.s32 @p0 $0x7;
	[sflag:s7] =	ssyncadd.s32 @p0 $0xFFFFC000;
	s7 =	simm.s32 @p0 $0x0  }
0x80: {  	[hbm4b:s5+s7] =	stream.linear.scatter @p0 [tilespmem:s11], [sflag:$0x8], $0x4000, $0x38;
	[tilespmem:$0x1A400] =	vst v63  }
0x81: {  	_ =	swait.ge @p0 [sflag:s6], $0x4000  }
0x82: {  	[sflag:s6] =	ssyncset.done @p0 $0x0  }
0x83: {  	s5 =	sadd.s32 @p0 $0x80, s8;
	[sflag:s6] =	ssyncadd.s32 @p0 $0xFFFFC000;
	s6 =	simm.s32 @p0 $0xA400  }
0x84: {  	[tilespmem:s6], [sflag:$0x2] =	stream.indirect.gather @p0 [hbm4b:s3+s9], $0x80, s5, s9, $0xb8;
	[tilespmem:$0x1A400] =	vst v63  }
0x85: {  	s5 =	simm.s32 @p0 $0x4  }
0x86: {  	_ =	swait.ge @p0 [sflag:s5], $0x4000  }
0x87: {  	[sflag:s5] =	ssyncset.done @p0 $0x0  }
0x88: {  	[sflag:s5] =	ssyncadd.s32 @p0 $0xFFFFC000;
	s5 =	simm.s32 @p0 $0x12400  }
0x89: {  	[hbm4b:s1+s7] =	stream.linear.scatter @p0 [tilespmem:s5], [sflag:$0x9], $0x4000, $0x38;
	[tilespmem:$0x1A400] =	vst v63  }
0x8a: {  	s1 =	simm.s32 @p0 $0x8  }
0x8b: {  	_ =	swait.ge @p0 [sflag:s1], $0x4000  }
0x8c: {  	[sflag:s1] =	ssyncset.done @p0 $0x0  }
0x8d: {  	[sflag:s1] =	ssyncadd.s32 @p0 $0xFFFFC000;
	s1 =	sadd.s32 @p0 $0x100, s8  }
0x8e: {  	[tilespmem:s11], [sflag:$0x3] =	stream.indirect.gather @p0 [hbm4b:s3+s9], $0x80, s1, s9, $0xb8;
	[tilespmem:$0x1A400] =	vst v63  }
0x8f: {  	s1 =	simm.s32 @p0 $0x5  }
0x90: {  	_ =	swait.ge @p0 [sflag:s1], $0x4000  }
0x91: {  	[sflag:s1] =	ssyncset.done @p0 $0x0  }
0x92: {  	[sflag:s1] =	ssyncadd.s32 @p0 $0xFFFFC000;
	s1 =	simm.s32 @p0 $0x16400  }
0x93: {  	[hbm4b:s0+s7] =	stream.linear.scatter @p0 [tilespmem:s1], [sflag:$0xA], $0x4000, $0x38;
	[tilespmem:$0x1A400] =	vst v63  }
0x94: {  	s0 =	simm.s32 @p0 $0x9  }
0x95: {  	_ =	swait.ge @p0 [sflag:s0], $0x4000  }
0x96: {  	s5 =	simm.s32 @!p0 $0x0;
	[sflag:s0] =	ssyncset.done @p0 $0x0  }
0x97: {  	s1 =	simm.s32 @!p0 $0x6400;
	[sflag:s0] =	ssyncadd.s32 @p0 $0xFFFFC000;
	s0 =	simm.s32 @!p0 $0x80  }
0x98: {  	[tilespmem:s1], [sflag:$0x1] =	stream.indirect.gather @!p0 [hbm4b:s3+s0], $0x80, s5, s0, $0xb8;
	[tilespmem:$0x1A400] =	vst v63  }
0x99: {  	s1 =	simm.s32 @!p0 $0xA400  }
0x9a: {  	[tilespmem:s1], [sflag:$0x2] =	stream.indirect.gather @!p0 [hbm4b:s3+s0], $0x80, s0, s0, $0xb8;
	[tilespmem:$0x1A400] =	vst v63  }
0x9b: {  	s5 =	simm.s32 @!p0 $0xE400;
	s1 =	simm.s32 @!p0 $0x100  }
0x9c: {  	[tilespmem:s5], [sflag:$0x3] =	stream.indirect.gather @!p0 [hbm4b:s3+s0], $0x80, s1, s0, $0xb8;
	[tilespmem:$0x1A400] =	vst v63  }
0x9d: {  	s5 =	sadd.s32 $0x180, s30  }
0x9e: {  	[tilespmem:s13], [sflag:$0x4] =	stream.indirect.gather [hbm4b:s3+s12], $0x80, s5, s12, $0xb8;
	[tilespmem:$0x1A400] =	vst v63  }
0x9f: {  	_ =	swait.ge [sflag:s14], $0x4000  }
0xa0: {  	p1 =	seq.s32 s29, $0x0;
	s7 =	sadd.s32 s28, s4;
	[sflag:s14] =	ssyncset.done $0x0  }
0xa1: {  	s0 =	simm.s32 @!p1 $0xA;
	s6 =	rddreg [dreg:$0x3];
	[sflag:s14] =	ssyncadd.s32 $0xFFFFC000  }
0xa2: {  	[hbm4b:s7+s2] =	stream.linear.scatter [tilespmem:s6], [sflag:$0x6], $0x4000, $0x38;
	[tilespmem:$0x1A400] =	vst v63  }
0xa3: {  	_ =	swait.ge @!p1 [sflag:s0], $0x4000  }
0xa4: {  	[sflag:s0] =	ssyncset.done @!p1 $0x0  }
0xa5: {  	s8 =	sadd.s32 $0x200, s30;
	[sflag:s0] =	ssyncadd.s32 @!p1 $0xFFFFC000  }
0xa6: {  	[tilespmem:s15], [sflag:$0x5] =	stream.indirect.gather [hbm4b:s3+s12], $0x80, s8, s12, $0xb8;
	[tilespmem:$0x1A400] =	vst v63  }
0xa7: {  	_ =	swait.ge [sflag:s16], $0x4000  }
0xa8: {  	s31 =	simm.s32 @!p0 $0x1;
	s9 =	rddreg [dreg:$0x4]  }
0xa9: {  	s0 =	sadd.s32 s9, s31  }
0xaa: {  	s0 =	sshll.u32 s0, $0xB  }
0xab: {  	s17 =	simm.s32 $0x3;
	[sflag:s16] =	ssyncset.done $0x0;
	s0 =	sand.u32 $0x1FFFF800, s0  }
0xac: {  	s11 =	rddreg [dreg:$0x5];
	[sflag:s16] =	ssyncadd.s32 $0xFFFFC000;
	s0 =	sadd.s32 s4, s0  }
0xad: {  	[hbm4b:s0+s2] =	stream.linear.scatter [tilespmem:s11], [sflag:$0x7], $0x4000, $0x38;
	[tilespmem:$0x1A400] =	vst v63  }
0xae: {  	_ =	swait.ge [sflag:s17], $0x4000  }
0xaf: {  	s19 =	simm.s32 $0xE400;
	[sflag:s17] =	ssyncset.done $0x0  }
0xb0: {  	s20 =	simm.s32 $0x4;
	s18 =	rddreg [dreg:$0x7];
	[sflag:s17] =	ssyncadd.s32 $0xFFFFC000  }
0xb1: {  	[hbm4b:s18+s2] =	stream.linear.scatter [tilespmem:s19], [sflag:$0x8], $0x4000, $0x38;
	[tilespmem:$0x1A400] =	vst v63  }
0xb2: {  	_ =	swait.ge [sflag:s20], $0x4000  }
0xb3: {  	[sflag:s20] =	ssyncset.done $0x0  }
0xb4: {  	s22 =	simm.s32 $0x5;
	s21 =	rddreg [dreg:$0x8];
	[sflag:s20] =	ssyncadd.s32 $0xFFFFC000  }
0xb5: {  	[hbm4b:s21+s2] =	stream.linear.scatter [tilespmem:s13], [sflag:$0x9], $0x4000, $0x38;
	[tilespmem:$0x1A400] =	vst v63  }
0xb6: {  	_ =	swait.ge [sflag:s22], $0x4000  }
0xb7: {  	[sflag:s22] =	ssyncset.done $0x0  }
0xb8: {  	s28 =	simm.s32 $0x6;
	s23 =	rddreg [dreg:$0x9];
	[sflag:s22] =	ssyncadd.s32 $0xFFFFC000  }
0xb9: {  	[hbm4b:s23+s2] =	stream.linear.scatter [tilespmem:s15], [sflag:$0xA], $0x4000, $0x38;
	[tilespmem:$0x1A400] =	vst v63  }
0xba: {  	_ =	swait.ge [sflag:s28], $0x4000  }
0xbb: {  	[sflag:s28] =	ssyncset.done $0x0  }
0xbc: {  	s29 =	simm.s32 $0x7;
	[sflag:s28] =	ssyncadd.s32 $0xFFFFC000  }
0xbd: {  	_ =	swait.ge [sflag:s29], $0x4000  }
0xbe: {  	[sflag:s29] =	ssyncset.done $0x0  }
0xbf: {  	s30 =	simm.s32 $0x8;
	[sflag:s29] =	ssyncadd.s32 $0xFFFFC000  }
0xc0: {  	_ =	swait.ge [sflag:s30], $0x4000  }
0xc1: {  	[sflag:s30] =	ssyncset.done $0x0  }
0xc2: {  	[sflag:s30] =	ssyncadd.s32 $0xFFFFC000  }
0xc3: {  	_ =	swait.ge [sflag:s24], $0x4000  }
0xc4: {  	[sflag:s24] =	ssyncset.done $0x0  }
0xc5: {  	[sflag:s24] =	ssyncadd.s32 $0xFFFFC000  }
0xc6: {  	_ =	swait.ge [sflag:s25], $0x4000  }
0xc7: {  	s26 =	sadd.s32 $0x1, s26;
	s31 =	rddreg [dreg:$0xa]  }
0xc8: {  	p0 =	sne.s32 s26, s31  }
.Ltmp1:
0xc9: {  	_ = 	snop;
	(pc) =	sbr.rel @p0 .LBB2_1-.Ltmp1, $3  }
0xca: {  	_ =	sdelay $0x1  }
0xcb: {  	[sflag:s25] =	ssyncset.done $0x0  }
0xcc: {  	[sflag:s25] =	ssyncadd.s32 $0xFFFFC000  }
0xcd: {  	_ =	sfence.sel $0x180000  }
0xce: {  	[bflag:$0x0] =	sbarrier.arrive $0xFFFF  }
0xcf: {  	_ =	strace $0x90000047  }
0xd0: {  	s0 =	stileid.u32;
	[bflag:$0x2] =	sbarrier.arrive $0xFFFF  }
0xd1: {  	p0 =	sne.s32 s0, $0x0;
	s0 =	rddreg [dreg:$0x2]  }
0xd2: {  	s0 =	sadd.s32 @!p0 $0x100000, s0  }
0xd3: {  	[sflag:s0] =	ssyncadd.tile.s32 @!p0 $0x1;
	_ =	shalt  }
.Lfunc_end2:
_tile_overlayer_lowered:
.L_overlay_start_2:
0xd4: {  	(tag) =	ssettag $0x2  }
0xd5: {  	s0 =	rddreg [dreg:$0x0];
	s2 =	stileid.u32  }
0xd6: {  	s1 =	rddreg [dreg:$0x1];
	p0 =	sne.s32 s2, $0x0  }
0xd7: {  	s3 =	rddreg [dreg:$0x2];
	[bflag:$0x3] =	sbarrier.arrive $0xFFFF;
	s2 =	simm.s32 @!p0 $0x1C0B  }
0xd8: {  	[timem:s3], [sflag:s2] =	dma.local @!p0 [hbm:s0], s1  }
0xd9: {  	s0 =	simm.s32 @!p0 $0xB  }
0xda: {  	_ =	swait.ge @!p0 [sflag:s0], s1  }
0xdb: {  	s1 =	ssub.s32 @!p0 $0x0, s1;
	[sflag:s0] =	ssyncset.done @!p0 $0x0  }
0xdc: {  	[sflag:s0] =	ssyncadd.s32 @!p0 s1  }
0xdd: {  	[bflag:$0x3] =	sbarrier.arrive $0xFFFF  }
0xde: {  	_ =	shalt  }

// kernel: sparse-core-data-format-call.cloned.1.call-start
scs
called_computation_lowered:
.L_overlay_start_0:
0x0: {  	s2 =	sld [smem:$0x3FD9]  }
0x1: {  	s3 =	sld [smem:$0x3FFE];
	_ =	sdelay $0x1  }
0x2: {  	s1 =	srdreg.scid  }
0x3: {  	s0 =	sand.u32 $0x1, s1  }
0x4: {  	s18 =	sshll.u32 s0, $0xA;
	s2 =	sadd.s32 s3, s2  }
0x5: {  	s2 =	sadd.s32 s2, s18  }
0x6: {  	[smem:$0x3FC6] =	sst s2  }
0x7: {  	_ = 	snop  }
0x8: {  	s2 =	sld [smem:$0x3FD0];
	(tm) =	ssettm $0x1  }
0x9: {  	s19 =	sld [smem:$0x3FFB];
	_ =	sdelay $0x3  }
0xa: {  	_ =	strace s19  }
0xb: {  	s3 =	sld [smem:$0x3FFC];
	_ =	sdelay $0x3  }
0xc: {  	_ =	strace s3  }
0xd: {  	s3 =	sld [smem:$0x3FFD];
	_ =	sdelay $0x3  }
0xe: {  	_ =	strace s3  }
0xf: {  	_ =	strace $0x8FFFFFFF  }
0x10: {  	s20 =	sld [smem:$0x3FDB];
	_ =	sdelay $0x1  }
0x11: {  	s4 =	simm.s32 $_scs_section_size  }
0x12: {  	s5 =	simm.s32 $_size__tile_overlayer_lowered;
	s6 =	simm.s32 $_tile_overlayer_lowered  }
0x13: {  	s23 =	simm.s32 $0x1BFF;
	s22 =	sshll.u32 s6, $0x1;
	s3 =	sadd.s32 s4, s20  }
0x14: {  	s7 =	simm.s32 $0x0;
	s21 =	sshll.u32 s5, $0x1;
	s5 =	sadd.s32 s22, s3  }
0x15: {  	[timem:s7], [sflag:s23] =	dma.local [hbm:s5], s21  }
0x16: {  	_ =	swait.ge [sflag:s23], s21  }
0x17: {  	s4 =	ssub.s32 $0x0, s21;
	[sflag:s23] =	ssyncset.done $0x0  }
0x18: {  	[sflag:s23] =	ssyncadd.s32 s4;
	_ =	sdelay $0x1  }
0x19: {  	s24 =	simm.s32 $0x1B8B  }
0x1a: {  	_ =	swait.ge [sflag:s24], $0x1  }
0x1b: {  	[sflag:s24] =	ssyncset.done $0x0  }
0x1c: {  	s26 =	simm.s32 $0x1B8E;
	s25 =	sld [smem:$0x3FFE];
	[sflag:s24] =	ssyncadd.s32 $0xFFFFFFFF  }
0x1d: {  	s27 =	simm.s32 $execute0_lowered;
	[smem:$0x3FD2] =	sst s26  }
0x1e: {  	s5 =	sshll.u32 s27, $0x1;
	_ =	strace $0x80000049;
	[dreg:$0x1] =	wrdreg $0xFFFFFFFF  }
0x1f: {  	s28 =	simm.s32 $_size_execute0_lowered;
	s3 =	sadd.s32 s3, s5;
	[dreg:$0x0] =	wrdreg $0x0  }
0x20: {  	s5 =	sshll.u32 s28, $0x1;
	[dreg:$0x2] =	wrdreg s3  }
0x21: {  	[dreg:$0x3] =	wrdreg s5  }
0x22: {  	[dreg:$0x4] =	wrdreg $0xC0  }
0x23: {  	_ =	task [dreg:s7], $0x5FFFF  }
0x24: {  	[dreg:$0x1] =	wrdreg $0xFFFFFFFF  }
0x25: {  	[dreg:$0x0] =	wrdreg $0x60  }
0x26: {  	[dreg:$0x2] =	wrdreg s25  }
0x27: {  	[dreg:$0x3] =	wrdreg s2  }
0x28: {  	[dreg:$0x4] =	wrdreg $0x9  }
0x29: {  	_ =	task.clear_ibuf [dreg:s7], $0x5FFFF;
	_ =	strace $0x90000049  }
0x2a: {  	s29 =	simm.s32 $0x9;
	_ =	strace $0x8000004B  }
0x2b: {  	_ =	swait.ge [sflag:s29], $0x1  }
0x2c: {  	[sflag:s29] =	ssyncadd.s32 $0xFFFFFFFF  }
0x2d: {  	_ =	strace $0x9000004B  }
0x2e: {  	_ =	sfence  }
0x2f: {  	s30 =	sld [smem:$0x0];
	_ =	sdelay $0x2  }
0x30: {  	s31 =	sshll.u32 s1, $0xD;
	s1 =	sshrl.u32 s1, $0x2  }
0x31: {  	s3 =	sand.u32 $0x4000, s31;
	s1 =	sadd.s32 s1, s30  }
0x32: {  	s0 =	sor.u32 s3, s0;
	s1 =	sshll.u32 s1, $0x11  }
0x33: {  	s0 =	sor.u32 s1, s0  }
0x34: {  	s0 =	sadd.s32 $0x8F2B, s0  }
0x35: {  	[sflag:s0] =	ssyncadd.remote.s32 $0x1  }
0x36: {  	_ =	sfence.sel $0xFFFF  }
0x37: {  	[dreg:$0x0] =	wrdreg $0xFFFFFFFF;
	(pc) =	sbr.abs _section_cstart, $3  }
0x38: {  	[dreg:$0x1] =	wrdreg $0xFFFFFFFF  }
0x39: {  	_ =	task.clear_ibuf [dreg:s7], $0x2FFFF;
	_ =	strace $0x9FFFFFFF  }
0x3a: {  	(tm) =	ssettm $0x7FFFFFFF  }
0x3b: {  	_ =	shalt  }
tec
execute0_lowered:
.L_overlay_start_1:
0x0: {  	(tag) =	ssettag $0x1  }
0x1: {  	s0 =	srdreg.scid  }
0x2: {  	s1 =	sshll.u32 s0, $0x4  }
0x3: {  	s0 =	stileid.u32;
	s1 =	sand.u32 $0x10, s1  }
0x4: {  	s1 =	sor.u32 s0, s1  }
0x5: {  	s6 =	rddreg [dreg:$0x0];
	s4 =	simm.s32 $0x1;
	s2 =	sshll.u32 s1, $0x7  }
0x6: {  	s7 =	simm.s32 $0x2;
	s12 =	simm.s32 $0x0;
	s1 =	ssub.s32 $0x1000, s2  }
0x7: {  	s8 =	simm.s32 $0x8000;
	s13 =	simm.s32 $0x0;
	s3 =	sand.u32 $0xF80, s1  }
0x8: {  	s9 =	simm.s32 $0x0;
	s5 =	sshrl.u32 s1, $0xC;
	p0 =	sne.s32 s3, $0x0  }
.Ltmp0:
0x9: {  	s1 =	rddreg [dreg:$0x2];
	s4 =	simm.s32 @!p0 $0x0;
	(pc) =	sbr.rel .LBB1_1-.Ltmp0, $4  }
0xa: {  	s11 =	simm.s32 $0x0;
	s3 =	rddreg [dreg:$0x1];
	s5 =	sadd.s32 s4, s5  }
0xb: {  	_ =	strace $0x8000004A;
	s4 =	simm.s32 $0x1;
	s5 =	smul.u32 $0xC8, s5  }
0xc: {  	s6 =	sadd.s32 $0xA00, s6;
	s10 =	smov.u32 s2;
	[sflag:s4] =	ssyncpa.u1 $0x0  }
0xd: {  	p0 =	por $0x0, $0x0;
	[sflag:s7] =	ssyncpa.u1 $0x0;
	s7 =	sor.u32 $0x1, s5  }
.LBB1_4:
0xe: {  	s16 =	sshll.u32 s13, $0x3;
	s17 =	sand.u32 $0x78, s13  }
0xf: {  	s30 =	sand.u32 $0x7E00, s13;
	s12 =	sshll.u32 s12, $0xF;
	s16 =	sand.u32 $0xC00, s16  }
0x10: {  	[tilespmem:s15+$0x810 ss:$0x81] =	vst.msk $0xffff, v2;
	s31 =	sand.u32 $0x7, s13;
	s16 =	sor.u32 s17, s16;
	s17 =	sadd.s32 s3, s30  }
0x11: {  	[tilespmem:s15+$0x1020 ss:$0x81] =	vst.msk $0xffff, v0;
	s13 =	sshll.u32 s31, $0x12;
	s12 =	sadd.s32 s12, s17;
	s16 =	sshrl.u32 s16, $0x3  }
0x12: {  	[tilespmem:s15+$0x0 ss:$0x81] =	vst.msk $0xffff, v1;
	s13 =	sor.u32 $0x400, s13;
	s12 =	sadd.s32 s16, s12  }
0x13: {  	[hbm4b:s12+s13] =	stream.strided.scatter [tilespmem:s14], [sflag:$0x2], $0x2000, s8, s13, $0x20;
	[tilespmem:$0x8080] =	vst v63  }
.LBB1_5:
0x14: {  	s14 =	sadd.s32 $0x1, s9  }
0x15: {  	s12 =	sadd.s32 $0x1000, s10;
	s16 =	smov.u32 s10;
	p2 =	sgt.s32 s14, $0xC7  }
0x16: {  	s16 =	smov.u32 @p2 s12  }
0x17: {  	s14 =	simm.s32 @p2 $0x0;
	p2 =	sgt.s32 s16, $0xFFF  }
0x18: {  	s16 =	smov.u32 @p2 s2;
	p2 =	sne.s32 s11, s7  }
.Ltmp1:
0x19: {  	p1 =	slt.u32 s11, $0x2;
	(pc) =	sbr.rel @!p2 .LBB1_6-.Ltmp1, $4  }
0x1a: {  	s15 =	simm.s32 @!p1 $0x2  }
0x1b: {  	s13 =	smov.u32 s10;
	p0 =	por !p0, !p0;
	_ =	swait.ge @!p1 [sflag:s15], $0x2000  }
0x1c: {  	s12 =	smov.u32 s9;
	[sflag:s15] =	ssyncset.done @!p1 $0x0;
	s9 =	smov.u32 s14  }
0x1d: {  	s11 =	sadd.s32 $0x1, s11;
	[sflag:s15] =	ssyncadd.s32 @!p1 $0xFFFFE000;
	s10 =	smov.u32 s16  }
.LBB1_1:
0x1e: {  	p1 =	sge.u32 s11, s5  }
0x1f: {  	s14 =	sand.u32 @!p1 $0x1FFFFFF, s9  }
0x20: {  	s15 =	smulhi.u32 @!p1 $0x147AE15, s14;
	_ =	sdelay $0x1  }
0x21: {  	s15 =	smul.u32 @!p1 $0xC8, s15  }
0x22: {  	s16 =	sxor.u32 @!p1 $0xFFFFFFFF, s11;
	s17 =	smul.u32 @!p1 $0xC80, s10  }
0x23: {  	s31 =	sadd.s32 $0xFFFFFFFF, s11;
	s16 =	sshll.u32 @!p1 s16, $0xD;
	s14 =	ssub.s32 @!p1 s14, s15  }
0x24: {  	s15 =	sand.u32 @!p1 $0x2000, s16;
	s16 =	sadd.s32 @!p1 s6, s17;
	s14 =	sshll.u32 @!p1 s14, $0x4  }
0x25: {  	s17 =	simm.s32 @!p1 $0x6400;
	s14 =	sadd.s32 @!p1 s14, s16;
	s16 =	simm.s32 @!p1 $0x40  }
0x26: {  	[tilespmem:s15], [sflag:$0x1] =	stream.strided.gather @!p1 [hbm4b:s14+s16], $0x2000, s17, s16, $0x38;
	[tilespmem:$0x8080] =	vst v63  }
0x27: {  	p1 =	sge.u32 s31, s5  }
.Ltmp2:
0x28: {  	_ = 	snop;
	(pc) =	sbr.rel @p1 .LBB1_5-.Ltmp2, $1  }
0x29: {  	_ =	sdelay $0x3  }
0x2a: {  	s14 =	simm.s32 $0x1  }
0x2b: {  	_ =	swait.ge [sflag:s4], $0x2000;
	s14 =	simm.s32 @!p0 $0x0  }
0x2c: {  	[sflag:s4] =	ssyncset.done $0x0;
	s15 =	sshll.u32 s14, $0xD  }
0x2d: {  	[sflag:s4] =	ssyncadd.s32 $0xFFFFE000;
	s18 =	sor.u32 $0x20, s15  }
0x2e: {  	s14 =	smul.u32 $0x8100, s14;
	v3 =	vld [tilespmem:s18+$0x10]  }
0x2f: {  	s30 =	sand.u32 $0x1, s11;
	v2 =	vld [tilespmem:s18+$0xFFFFFFF0]  }
0x30: {  	s15 =	smul.u32 $0x8100, s30;
	s14 =	sshrl.u32 s14, $0x2;
	v0 =	vld [tilespmem:s18+$0x0]  }
0x31: {  	v1 =	vld [tilespmem:s18+$0xFFFFFFE0];
	s16 =	sor.u32 $0x4000, s14  }
0x32: {  	s31 =	sshrl.u32 s15, $0x2;
	s15 =	sadd.s32 $0x0, s16  }
0x33: {  	s17 =	simm.s32 $0x4;
	s18 =	sadd.s32 $0x40, s18;
	s14 =	sor.u32 $0x4000, s31;
	[tilespmem:s15+$0x1830 ss:$0x81] =	vst.msk $0xffff, v3  }
.LBB1_3:
0x34: {  	v3 =	vld [tilespmem:s18+$0x10];
	p1 =	sne.s32 s17, $0x1FC;
	[tilespmem:s15+$0x810 ss:$0x81] =	vst.msk $0xffff, v2;
	s19 =	smov.u32 s17;
	s17 =	sadd.s32 $0x4, s17  }
.Ltmp3:
0x35: {  	v2 =	vld [tilespmem:s18+$0xFFFFFFF0];
	[tilespmem:s15+$0x1020 ss:$0x81] =	vst.msk $0xffff, v0;
	(pc) =	sbr.rel @p1 .LBB1_3-.Ltmp3, $4  }
0x36: {  	v0 =	vld [tilespmem:s18+$0x0];
	[tilespmem:s15+$0x0 ss:$0x81] =	vst.msk $0xffff, v1  }
0x37: {  	s15 =	sshra.s32 s19, $0x2;
	v1 =	vld [tilespmem:s18+$0xFFFFFFE0]  }
0x38: {  	s15 =	sadd.s32 s15, s16  }
0x39: {  	s18 =	sadd.s32 $0x40, s18;
	[tilespmem:s15+$0x1830 ss:$0x81] =	vst.msk $0xffff, v3  }
.Ltmp4:
0x3a: {  	_ = 	snop;
	(pc) =	sbr.rel .LBB1_4-.Ltmp4, $1  }
0x3b: {  	_ =	sdelay $0x3  }
.LBB1_6:
0x3c: {  	_ =	sfence.sel $0x180000  }
0x3d: {  	s2 =	simm.s32 $0x1;
	[bflag:$0x0] =	sbarrier.arrive $0xFFFF  }
0x3e: {  	s31 =	simm.s32 $0x2;
	[sflag:s2] =	ssyncpa.u1 $0x1  }
0x3f: {  	[sflag:s31] =	ssyncpa.u1 $0x1  }
0x40: {  	p0 =	sne.s32 s0, $0x0;
	_ =	strace $0x9000004A  }
0x41: {  	s0 =	sadd.s32 @!p0 $0x100000, s1;
	[bflag:$0x2] =	sbarrier.arrive $0xFFFF  }
0x42: {  	[sflag:s0] =	ssyncadd.tile.s32 @!p0 $0x1;
	_ =	shalt  }
.Lfunc_end1:
_tile_overlayer_lowered:
.L_overlay_start_2:
0x43: {  	(tag) =	ssettag $0x2  }
0x44: {  	s0 =	rddreg [dreg:$0x0];
	s2 =	stileid.u32  }
0x45: {  	s1 =	rddreg [dreg:$0x1];
	p0 =	sne.s32 s2, $0x0  }
0x46: {  	s3 =	rddreg [dreg:$0x2];
	[bflag:$0x3] =	sbarrier.arrive $0xFFFF;
	s2 =	simm.s32 @!p0 $0x1C01  }
0x47: {  	[timem:s3], [sflag:s2] =	dma.local @!p0 [hbm:s0], s1  }
0x48: {  	s0 =	simm.s32 @!p0 $0x1  }
0x49: {  	_ =	swait.ge @!p0 [sflag:s0], s1  }
0x4a: {  	s1 =	ssub.s32 @!p0 $0x0, s1;
	[sflag:s0] =	ssyncset.done @!p0 $0x0  }
0x4b: {  	[sflag:s0] =	ssyncadd.s32 @!p0 s1  }
0x4c: {  	[bflag:$0x3] =	sbarrier.arrive $0xFFFF  }
0x4d: {  	_ =	shalt  }

</sc_bundles>
